<compile_context>
chip_gen: v7x
topology: tpu7x:2x2x1
jax: 0.10.2.dev20260603
libtpu: 0.0.44.dev20260713+nightly
codegen_flags: <defaults>
</compile_context>

<pallas_src>
import functools
import jax
import jax.numpy as jnp
from jax import lax
from jax.experimental import pallas as pl
from jax.experimental.pallas import tpu as pltpu
from jax.experimental.pallas import tpu_sc as plsc

N = 10000
D = 128
NC, NS, LANES = 2, 16, 16
NW = NC * NS
CHUNK = 128
EDGE_CHUNKS = 80
IDX_BLK = 16
E_PAD = NW * EDGE_CHUNKS * CHUNK
TOT_CHUNKS = E_PAD // CHUNK
C0_CHUNKS = 144
C1_CHUNKS = 16
assert C0_CHUNKS + C1_CHUNKS == 2 * EDGE_CHUNKS
assert C0_CHUNKS % IDX_BLK == 0 and C1_CHUNKS % IDX_BLK == 0
ACC_ROWS = 10240
ROWS_PER_TILE = ACC_ROWS // NS
WB_CHUNKS = ROWS_PER_TILE // CHUNK
DUMMY_DST = N

_MESH = plsc.VectorSubcoreMesh(core_axis_name="c", subcore_axis_name="s")


def _zero_buf(buf, rows, width):
    def zrow(i, carry):
        def zcol(k, c2):
            buf[i, pl.ds(k * LANES, LANES)] = jnp.zeros((LANES,), jnp.float32)
            return c2
        return lax.fori_loop(0, width // LANES, zcol, carry)
    lax.fori_loop(0, rows, zrow, 0)


@functools.partial(
    pl.kernel,
    out_type=jax.ShapeDtypeStruct((NC, ACC_ROWS, D), jnp.float32),
    mesh=_MESH,
    scratch_types=[
        pltpu.VMEM((IDX_BLK, CHUNK), jnp.int32),
        pltpu.VMEM((IDX_BLK, CHUNK), jnp.int32),
        pltpu.VMEM((CHUNK, D), jnp.float32),
        pltpu.VMEM_SHARED((ACC_ROWS, D), jnp.float32),
    ],
)
def _edge_kernel(src_hbm, dst_hbm, hp_hbm, out_hbm, src_v, dst_v, buf0, acc):
    c = lax.axis_index("c")
    s = lax.axis_index("s")
    wid = c * NS + s
    base = s * ROWS_PER_TILE

    _zero_buf(buf0, CHUNK, D)
    for k in range(WB_CHUNKS):
        pltpu.sync_copy(buf0, acc.at[pl.ds(base + k * CHUNK, CHUNK)])
    plsc.subcore_barrier()

    start_chunk = jnp.where(c == 0, s * C0_CHUNKS, NS * C0_CHUNKS + s * C1_CHUNKS)
    nblocks = jnp.where(c == 0, C0_CHUNKS // IDX_BLK, C1_CHUNKS // IDX_BLK)

    def block(b, carry):
        off = start_chunk + b * IDX_BLK
        pltpu.sync_copy(src_hbm.at[pl.ds(off, IDX_BLK)], src_v)
        pltpu.sync_copy(dst_hbm.at[pl.ds(off, IDX_BLK)], dst_v)

        def body(j, c2):
            pltpu.sync_copy(hp_hbm.at[src_v.at[j]], buf0)
            pltpu.sync_copy(buf0, acc.at[dst_v.at[j]], add=True)
            return c2
        lax.fori_loop(0, IDX_BLK, body, 0)
        return carry
    lax.fori_loop(0, nblocks, block, 0)

    plsc.subcore_barrier()
    for k in range(WB_CHUNKS):
        pltpu.sync_copy(acc.at[pl.ds(base + k * CHUNK, CHUNK)],
                        out_hbm.at[c, pl.ds(base + k * CHUNK, CHUNK)])



BN = 1000


def _dinv_of(deg_ref):
    d = deg_ref[0] + deg_ref[1]
    return lax.rsqrt(1.0 + d[:, 0:1])


def _mm1_body(deg_ref, x_ref, w_ref, hp_ref):
    dinv = _dinv_of(deg_ref)
    h = jnp.dot(x_ref[...], w_ref[...], preferred_element_type=jnp.float32)
    hp_ref[...] = dinv * h


def _mid_body(deg_ref, agg_ref, hp1_ref, b1_ref, w2_ref, hp2_ref):
    dinv = _dinv_of(deg_ref)
    aggsum = agg_ref[0] + agg_ref[1]
    z = jnp.maximum(dinv * (aggsum + hp1_ref[...]) + b1_ref[...], 0.0)
    hp2_ref[...] = dinv * jnp.dot(z, w2_ref[...], preferred_element_type=jnp.float32)


def _out_body(deg_ref, agg_ref, hp2_ref, b2_ref, o_ref):
    dinv = _dinv_of(deg_ref)
    aggsum = agg_ref[0] + agg_ref[1]
    o_ref[...] = dinv * (aggsum + hp2_ref[...]) + b2_ref[...]


_deg_spec = pl.BlockSpec((NC, BN, D), lambda i: (0, i, 0))
_agg_spec = pl.BlockSpec((NC, BN, D), lambda i: (0, i, 0))
_row_spec = pl.BlockSpec((BN, D), lambda i: (i, 0))
_w_spec = pl.BlockSpec((D, D), lambda i: (0, 0))
_b_spec = pl.BlockSpec((1, D), lambda i: (0, 0))

_mm1 = pl.pallas_call(
    _mm1_body,
    grid=(N // BN,),
    in_specs=[_deg_spec, _row_spec, _w_spec],
    out_specs=_row_spec,
    out_shape=jax.ShapeDtypeStruct((N, D), jnp.float32),
)

_mid = pl.pallas_call(
    _mid_body,
    grid=(N // BN,),
    in_specs=[_deg_spec, _agg_spec, _row_spec, _b_spec, _w_spec],
    out_specs=_row_spec,
    out_shape=jax.ShapeDtypeStruct((N, D), jnp.float32),
)

_outk = pl.pallas_call(
    _out_body,
    grid=(N // BN,),
    in_specs=[_deg_spec, _agg_spec, _row_spec, _b_spec],
    out_specs=_row_spec,
    out_shape=jax.ShapeDtypeStruct((N, D), jnp.float32),
)


def kernel(x, edge_index, W1, b1, W2, b2):
    e = edge_index.shape[1]
    pad = E_PAD - e
    src = jnp.concatenate([edge_index[0], jnp.zeros((pad,), jnp.int32)])
    dst = jnp.concatenate([edge_index[1], jnp.full((pad,), DUMMY_DST, jnp.int32)])
    src_p = src.reshape(TOT_CHUNKS, CHUNK)
    dst_p = dst.reshape(TOT_CHUNKS, CHUNK)

    deg_parts = _edge_kernel(src_p, dst_p, jnp.ones((N, D), jnp.float32))
    hp1 = _mm1(deg_parts, x, W1)
    agg1 = _edge_kernel(src_p, dst_p, hp1)
    hp2 = _mid(deg_parts, agg1, hp1, b1.reshape(1, D), W2)
    agg2 = _edge_kernel(src_p, dst_p, hp2)
    return _outk(deg_parts, agg2, hp2, b2.reshape(1, D))

# --- scband reference (transcript-rebuilt; emitter-appended) ---
"""Pipeline reference for scband-gcn-88313117540590 (READ-ONLY COPY).

The authoritative reference and input builder live on the scoring server;
editing this copy changes nothing except your own understanding.
"""

import jax, jax.numpy as jnp
import numpy as np

N, D_IN, D_HID, D_EMB, E = 10000, 128, 128, 128, 320000


def glorot(key, shape):
    lim = jnp.sqrt(6.0 / (shape[0] + shape[1]))
    return jax.random.uniform(key, shape, dtype=jnp.float32, minval=-lim, maxval=lim)


def setup_inputs(seed: int = 0):
    key = jax.random.key(seed)
    ks = jax.random.split(key, 4)
    x = jax.random.normal(ks[0], (N, D_IN), dtype=jnp.float32)
    edge_index = jax.random.randint(ks[1], (2, E), 0, N, dtype=jnp.int32)
    W1 = glorot(ks[2], (D_IN, D_HID))
    b1 = jnp.zeros((D_HID,), dtype=jnp.float32)
    W2 = glorot(ks[3], (D_HID, D_EMB))
    b2 = jnp.zeros((D_EMB,), dtype=jnp.float32)
    return {"x": x, "edge_index": edge_index, "W1": W1, "b1": b1, "W2": W2, "b2": b2}


def gcn_conv(x, edge_index, W, b):
    # PyG GCNConv: add self-loops, symmetric normalization D^-1/2 (A+I) D^-1/2 X W + b
    n = x.shape[0]
    loop = jnp.arange(n, dtype=edge_index.dtype)
    src = jnp.concatenate([edge_index[0], loop])
    dst = jnp.concatenate([edge_index[1], loop])
    deg = jnp.zeros((n,), dtype=x.dtype).at[dst].add(1.0)
    dinv = jnp.where(deg > 0, jax.lax.rsqrt(jnp.maximum(deg, 1e-12)), 0.0)
    norm = dinv[src] * dinv[dst]
    h = x @ W
    msg = h[src] * norm[:, None]
    out = jnp.zeros((n, h.shape[1]), dtype=x.dtype).at[dst].add(msg)
    return out + b


def reference(x, edge_index, W1, b1, W2, b2):
    h = gcn_conv(x, edge_index, W1, b1)
    h = jax.nn.relu(h)
    # dropout p=0.0 -> identity; graphnorm=False; output_dim=0 -> no final linear
    out = gcn_conv(h, edge_index, W2, b2)
    return out

if __name__ == "__main__":
    import jax
    _d = setup_inputs()
    print(jax.jit(kernel)(*tuple(_d.values())))

</pallas_src>

<mosaic_0001>
#map = affine_map<(d0, d1) -> (0, 0)>
#map1 = affine_map<(d0, d1) -> (0, 0, 0)>
module attributes {stable_mosaic.version = 14 : i64} {
  func.func @_edge_kernel(%arg0: i32, %arg1: i32, %arg2: memref<2560x128xi32, #tpu.memory_space<hbm>>, %arg3: memref<2560x128xi32, #tpu.memory_space<hbm>>, %arg4: memref<10000x128xf32, #tpu.memory_space<hbm>>, %arg5: memref<2x10240x128xf32, #tpu.memory_space<hbm>>, %arg6: memref<16x128xi32, #tpu.memory_space<vmem>>, %arg7: memref<16x128xi32, #tpu.memory_space<vmem>>, %arg8: memref<128x128xf32, #tpu.memory_space<vmem>>, %arg9: memref<10240x128xf32, #tpu.memory_space<vmem_shared>>) attributes {dimension_semantics = [#tpu.dimension_semantics<core_parallel>, #tpu.dimension_semantics<subcore_parallel>], iteration_bounds = array<i64: 2, 16>, scalar_prefetch = 0 : i64, scratch_operands = 4 : i64, tpu.core_type = #tpu.core_type<sc_vector_subcore>, window_params = [{transform_indices = #map}, {transform_indices = #map}, {transform_indices = #map}, {transform_indices = #map1}]} {
    %mul3A = arith.constant 16 : i32
    %mul3A_0 = arith.muli %arg0, %mul3A : i32
    %add3A = arith.addi %mul3A_0, %arg1 : i32
    %mul3A_1 = arith.constant 640 : i32
    %mul3A_2 = arith.muli %arg1, %mul3A_1 : i32
    %scan3A = arith.constant 0 : i32
    %scan3A_3 = arith.constant 0 : i32
    %scan3A_4 = arith.constant 128 : i32
    %scan3A_5 = arith.addi %scan3A_3, %scan3A_4 : i32
    %scan3A_6 = arith.constant 1 : i32
    scf.for %scan3A_59 = %scan3A_3 to %scan3A_5 step %scan3A_6  : i32 {
      %scan3A_60 = arith.constant 0 : i32
      %scan3A_61 = arith.constant 8 : i32
      %scan3A_62 = arith.addi %scan3A_60, %scan3A_61 : i32
      %scan3A_63 = arith.constant 1 : i32
      scf.for %scan3A_65 = %scan3A_60 to %scan3A_62 step %scan3A_63  : i32 {
        %broadcast_in_dim3A = arith.constant 0.000000e+00 : f32
        %broadcast_in_dim3A_66 = vector.broadcast %broadcast_in_dim3A : f32 to vector<16xf32>
        %mul3A_67 = arith.constant 16 : i32
        %mul3A_68 = arith.muli %scan3A_65, %mul3A_67 : i32
        %swap3A = arith.index_cast %scan3A_59 : i32 to index
        %swap3A_69 = arith.index_cast %mul3A_68 : i32 to index
        %swap3A_70 = tpu.vector_load %arg8[%swap3A, %swap3A_69] {strides = array<i32>} : memref<128x128xf32, #tpu.memory_space<vmem>>, vector<1x16xf32>,
        %swap3A_71 = vector.shape_cast %swap3A_70 : vector<1x16xf32> to vector<16xf32>
        %swap3A_72 = vector.shape_cast %broadcast_in_dim3A_66 : vector<16xf32> to vector<1x16xf32>
        tpu.vector_store %arg8[%swap3A, %swap3A_69], %swap3A_72 {strides = array<i32>} : memref<128x128xf32, #tpu.memory_space<vmem>>, vector<1x16xf32>,
      }
      %scan3A_64 = arith.constant 8 : i32
    }
    %scan3A_7 = arith.constant 128 : i32
    %add3A_8 = arith.constant 0 : i32
    %add3A_9 = arith.addi %mul3A_2, %add3A_8 : i32
    "tpu.region"() ({
      %run_scoped3A = tpu.sem_alloc : memref<!tpu.dma_semaphore, #tpu.memory_space<semaphore_mem>>
      %dma_start3A = arith.constant 0 : i32
      %dma_start3A_59 = tpu.memref_slice %arg9[%add3A_9, %dma_start3A] : memref<10240x128xf32, #tpu.memory_space<vmem_shared>> -> memref<128x128xf32, #tpu.memory_space<vmem_shared>>
      %dma_start3A_60 = arith.constant 0 : i32
      %dma_start3A_61 = tpu.memref_slice %arg9[%add3A_9, %dma_start3A_60] : memref<10240x128xf32, #tpu.memory_space<vmem_shared>> -> memref<128x128xf32, #tpu.memory_space<vmem_shared>>
      tpu.enqueue_dma source(%arg8 : memref<128x128xf32, #tpu.memory_space<vmem>>) target(%dma_start3A_61 : memref<128x128xf32, #tpu.memory_space<vmem_shared>>) target_semaphore(%run_scoped3A : memref<!tpu.dma_semaphore, #tpu.memory_space<semaphore_mem>>)
      %dma_wait3A = arith.constant 0 : i32
      %dma_wait3A_62 = tpu.memref_slice %arg9[%add3A_9, %dma_wait3A] : memref<10240x128xf32, #tpu.memory_space<vmem_shared>> -> memref<128x128xf32, #tpu.memory_space<vmem_shared>>
      %dma_wait3A_63 = arith.constant 0 : i32
      %dma_wait3A_64 = tpu.memref_slice %arg9[%add3A_9, %dma_wait3A_63] : memref<10240x128xf32, #tpu.memory_space<vmem_shared>> -> memref<128x128xf32, #tpu.memory_space<vmem_shared>>
      tpu.wait_dma2 semaphore(%run_scoped3A : memref<!tpu.dma_semaphore, #tpu.memory_space<semaphore_mem>>) src(%arg8 : memref<128x128xf32, #tpu.memory_space<vmem>>) dst(%dma_wait3A_64 : memref<128x128xf32, #tpu.memory_space<vmem_shared>>)
      tpu.yield
    }) : () -> ()
    %add3A_10 = arith.constant 128 : i32
    %add3A_11 = arith.addi %mul3A_2, %add3A_10 : i32
    "tpu.region"() ({
      %run_scoped3A = tpu.sem_alloc : memref<!tpu.dma_semaphore, #tpu.memory_space<semaphore_mem>>
      %dma_start3A = arith.constant 0 : i32
      %dma_start3A_59 = tpu.memref_slice %arg9[%add3A_11, %dma_start3A] : memref<10240x128xf32, #tpu.memory_space<vmem_shared>> -> memref<128x128xf32, #tpu.memory_space<vmem_shared>>
      %dma_start3A_60 = arith.constant 0 : i32
      %dma_start3A_61 = tpu.memref_slice %arg9[%add3A_11, %dma_start3A_60] : memref<10240x128xf32, #tpu.memory_space<vmem_shared>> -> memref<128x128xf32, #tpu.memory_space<vmem_shared>>
      tpu.enqueue_dma source(%arg8 : memref<128x128xf32, #tpu.memory_space<vmem>>) target(%dma_start3A_61 : memref<128x128xf32, #tpu.memory_space<vmem_shared>>) target_semaphore(%run_scoped3A : memref<!tpu.dma_semaphore, #tpu.memory_space<semaphore_mem>>)
      %dma_wait3A = arith.constant 0 : i32
      %dma_wait3A_62 = tpu.memref_slice %arg9[%add3A_11, %dma_wait3A] : memref<10240x128xf32, #tpu.memory_space<vmem_shared>> -> memref<128x128xf32, #tpu.memory_space<vmem_shared>>
      %dma_wait3A_63 = arith.constant 0 : i32
      %dma_wait3A_64 = tpu.memref_slice %arg9[%add3A_11, %dma_wait3A_63] : memref<10240x128xf32, #tpu.memory_space<vmem_shared>> -> memref<128x128xf32, #tpu.memory_space<vmem_shared>>
      tpu.wait_dma2 semaphore(%run_scoped3A : memref<!tpu.dma_semaphore, #tpu.memory_space<semaphore_mem>>) src(%arg8 : memref<128x128xf32, #tpu.memory_space<vmem>>) dst(%dma_wait3A_64 : memref<128x128xf32, #tpu.memory_space<vmem_shared>>)
      tpu.yield
    }) : () -> ()
    %add3A_12 = arith.constant 256 : i32
    %add3A_13 = arith.addi %mul3A_2, %add3A_12 : i32
    "tpu.region"() ({
      %run_scoped3A = tpu.sem_alloc : memref<!tpu.dma_semaphore, #tpu.memory_space<semaphore_mem>>
      %dma_start3A = arith.constant 0 : i32
      %dma_start3A_59 = tpu.memref_slice %arg9[%add3A_13, %dma_start3A] : memref<10240x128xf32, #tpu.memory_space<vmem_shared>> -> memref<128x128xf32, #tpu.memory_space<vmem_shared>>
      %dma_start3A_60 = arith.constant 0 : i32
      %dma_start3A_61 = tpu.memref_slice %arg9[%add3A_13, %dma_start3A_60] : memref<10240x128xf32, #tpu.memory_space<vmem_shared>> -> memref<128x128xf32, #tpu.memory_space<vmem_shared>>
      tpu.enqueue_dma source(%arg8 : memref<128x128xf32, #tpu.memory_space<vmem>>) target(%dma_start3A_61 : memref<128x128xf32, #tpu.memory_space<vmem_shared>>) target_semaphore(%run_scoped3A : memref<!tpu.dma_semaphore, #tpu.memory_space<semaphore_mem>>)
      %dma_wait3A = arith.constant 0 : i32
      %dma_wait3A_62 = tpu.memref_slice %arg9[%add3A_13, %dma_wait3A] : memref<10240x128xf32, #tpu.memory_space<vmem_shared>> -> memref<128x128xf32, #tpu.memory_space<vmem_shared>>
      %dma_wait3A_63 = arith.constant 0 : i32
      %dma_wait3A_64 = tpu.memref_slice %arg9[%add3A_13, %dma_wait3A_63] : memref<10240x128xf32, #tpu.memory_space<vmem_shared>> -> memref<128x128xf32, #tpu.memory_space<vmem_shared>>
      tpu.wait_dma2 semaphore(%run_scoped3A : memref<!tpu.dma_semaphore, #tpu.memory_space<semaphore_mem>>) src(%arg8 : memref<128x128xf32, #tpu.memory_space<vmem>>) dst(%dma_wait3A_64 : memref<128x128xf32, #tpu.memory_space<vmem_shared>>)
      tpu.yield
    }) : () -> ()
    %add3A_14 = arith.constant 384 : i32
    %add3A_15 = arith.addi %mul3A_2, %add3A_14 : i32
    "tpu.region"() ({
      %run_scoped3A = tpu.sem_alloc : memref<!tpu.dma_semaphore, #tpu.memory_space<semaphore_mem>>
      %dma_start3A = arith.constant 0 : i32
      %dma_start3A_59 = tpu.memref_slice %arg9[%add3A_15, %dma_start3A] : memref<10240x128xf32, #tpu.memory_space<vmem_shared>> -> memref<128x128xf32, #tpu.memory_space<vmem_shared>>
      %dma_start3A_60 = arith.constant 0 : i32
      %dma_start3A_61 = tpu.memref_slice %arg9[%add3A_15, %dma_start3A_60] : memref<10240x128xf32, #tpu.memory_space<vmem_shared>> -> memref<128x128xf32, #tpu.memory_space<vmem_shared>>
      tpu.enqueue_dma source(%arg8 : memref<128x128xf32, #tpu.memory_space<vmem>>) target(%dma_start3A_61 : memref<128x128xf32, #tpu.memory_space<vmem_shared>>) target_semaphore(%run_scoped3A : memref<!tpu.dma_semaphore, #tpu.memory_space<semaphore_mem>>)
      %dma_wait3A = arith.constant 0 : i32
      %dma_wait3A_62 = tpu.memref_slice %arg9[%add3A_15, %dma_wait3A] : memref<10240x128xf32, #tpu.memory_space<vmem_shared>> -> memref<128x128xf32, #tpu.memory_space<vmem_shared>>
      %dma_wait3A_63 = arith.constant 0 : i32
      %dma_wait3A_64 = tpu.memref_slice %arg9[%add3A_15, %dma_wait3A_63] : memref<10240x128xf32, #tpu.memory_space<vmem_shared>> -> memref<128x128xf32, #tpu.memory_space<vmem_shared>>
      tpu.wait_dma2 semaphore(%run_scoped3A : memref<!tpu.dma_semaphore, #tpu.memory_space<semaphore_mem>>) src(%arg8 : memref<128x128xf32, #tpu.memory_space<vmem>>) dst(%dma_wait3A_64 : memref<128x128xf32, #tpu.memory_space<vmem_shared>>)
      tpu.yield
    }) : () -> ()
    %add3A_16 = arith.constant 512 : i32
    %add3A_17 = arith.addi %mul3A_2, %add3A_16 : i32
    "tpu.region"() ({
      %run_scoped3A = tpu.sem_alloc : memref<!tpu.dma_semaphore, #tpu.memory_space<semaphore_mem>>
      %dma_start3A = arith.constant 0 : i32
      %dma_start3A_59 = tpu.memref_slice %arg9[%add3A_17, %dma_start3A] : memref<10240x128xf32, #tpu.memory_space<vmem_shared>> -> memref<128x128xf32, #tpu.memory_space<vmem_shared>>
      %dma_start3A_60 = arith.constant 0 : i32
      %dma_start3A_61 = tpu.memref_slice %arg9[%add3A_17, %dma_start3A_60] : memref<10240x128xf32, #tpu.memory_space<vmem_shared>> -> memref<128x128xf32, #tpu.memory_space<vmem_shared>>
      tpu.enqueue_dma source(%arg8 : memref<128x128xf32, #tpu.memory_space<vmem>>) target(%dma_start3A_61 : memref<128x128xf32, #tpu.memory_space<vmem_shared>>) target_semaphore(%run_scoped3A : memref<!tpu.dma_semaphore, #tpu.memory_space<semaphore_mem>>)
      %dma_wait3A = arith.constant 0 : i32
      %dma_wait3A_62 = tpu.memref_slice %arg9[%add3A_17, %dma_wait3A] : memref<10240x128xf32, #tpu.memory_space<vmem_shared>> -> memref<128x128xf32, #tpu.memory_space<vmem_shared>>
      %dma_wait3A_63 = arith.constant 0 : i32
      %dma_wait3A_64 = tpu.memref_slice %arg9[%add3A_17, %dma_wait3A_63] : memref<10240x128xf32, #tpu.memory_space<vmem_shared>> -> memref<128x128xf32, #tpu.memory_space<vmem_shared>>
      tpu.wait_dma2 semaphore(%run_scoped3A : memref<!tpu.dma_semaphore, #tpu.memory_space<semaphore_mem>>) src(%arg8 : memref<128x128xf32, #tpu.memory_space<vmem>>) dst(%dma_wait3A_64 : memref<128x128xf32, #tpu.memory_space<vmem_shared>>)
      tpu.yield
    }) : () -> ()
    %barrier3A = arith.constant 0 : index
    tpu.barrier barrier_id(%barrier3A)
    %eq3A = arith.constant 0 : i32
    %eq3A_18 = arith.cmpi eq, %arg0, %eq3A : i32
    %mul3A_19 = arith.constant 144 : i32
    %mul3A_20 = arith.muli %arg1, %mul3A_19 : i32
    %mul3A_21 = arith.constant 16 : i32
    %mul3A_22 = arith.muli %arg1, %mul3A_21 : i32
    %add3A_23 = arith.constant 2304 : i32
    %add3A_24 = arith.addi %add3A_23, %mul3A_22 : i32
    %select_n3A = arith.select %eq3A_18, %mul3A_20, %add3A_24 : i32
    %eq3A_25 = arith.constant 0 : i32
    %eq3A_26 = arith.cmpi eq, %arg0, %eq3A_25 : i32
    %jit3A = arith.constant 9 : i32
    %jit3A_27 = arith.constant 1 : i32
    %select_n3A_28 = arith.select %eq3A_26, %jit3A, %jit3A_27 : i32
    %while3A = arith.constant 0 : i32
    %while3A_29 = arith.constant 0 : i32
    %while3A_30 = arith.subi %select_n3A_28, %while3A_29 : i32
    %while3A_31 = arith.addi %while3A_29, %while3A_30 : i32
    %while3A_32 = arith.constant 1 : i32
    %while3A_33 = arith.divsi %while3A_30, %while3A_32 : i32
    %while3A_34 = arith.muli %while3A_33, %while3A_32 : i32
    %while3A_35 = arith.addi %while3A_29, %while3A_34 : i32
    %while3A_36 = arith.constant 1 : i32
    scf.for %while3A_59 = %while3A_29 to %while3A_35 step %while3A_36  : i32 {
      %mul3A_60 = arith.constant 16 : i32
      %mul3A_61 = arith.muli %while3A_59, %mul3A_60 : i32
      %add3A_62 = arith.addi %select_n3A, %mul3A_61 : i32
      "tpu.region"() ({
        %run_scoped3A = tpu.sem_alloc : memref<!tpu.dma_semaphore, #tpu.memory_space<semaphore_mem>>
        %dma_start3A = arith.constant 0 : i32
        %dma_start3A_69 = tpu.memref_slice %arg2[%add3A_62, %dma_start3A] : memref<2560x128xi32, #tpu.memory_space<hbm>> -> memref<16x128xi32, #tpu.memory_space<hbm>>
        %dma_start3A_70 = arith.constant 0 : i32
        %dma_start3A_71 = tpu.memref_slice %arg2[%add3A_62, %dma_start3A_70] : memref<2560x128xi32, #tpu.memory_space<hbm>> -> memref<16x128xi32, #tpu.memory_space<hbm>>
        tpu.enqueue_dma source(%dma_start3A_71 : memref<16x128xi32, #tpu.memory_space<hbm>>) target(%arg6 : memref<16x128xi32, #tpu.memory_space<vmem>>) target_semaphore(%run_scoped3A : memref<!tpu.dma_semaphore, #tpu.memory_space<semaphore_mem>>)
        %dma_wait3A = arith.constant 0 : i32
        %dma_wait3A_72 = tpu.memref_slice %arg2[%add3A_62, %dma_wait3A] : memref<2560x128xi32, #tpu.memory_space<hbm>> -> memref<16x128xi32, #tpu.memory_space<hbm>>
        %dma_wait3A_73 = arith.constant 0 : i32
        %dma_wait3A_74 = tpu.memref_slice %arg2[%add3A_62, %dma_wait3A_73] : memref<2560x128xi32, #tpu.memory_space<hbm>> -> memref<16x128xi32, #tpu.memory_space<hbm>>
        tpu.wait_dma2 semaphore(%run_scoped3A : memref<!tpu.dma_semaphore, #tpu.memory_space<semaphore_mem>>) src(%dma_wait3A_74 : memref<16x128xi32, #tpu.memory_space<hbm>>) dst(%arg6 : memref<16x128xi32, #tpu.memory_space<vmem>>)
        tpu.yield
      }) : () -> ()
      "tpu.region"() ({
        %run_scoped3A = tpu.sem_alloc : memref<!tpu.dma_semaphore, #tpu.memory_space<semaphore_mem>>
        %dma_start3A = arith.constant 0 : i32
        %dma_start3A_69 = tpu.memref_slice %arg3[%add3A_62, %dma_start3A] : memref<2560x128xi32, #tpu.memory_space<hbm>> -> memref<16x128xi32, #tpu.memory_space<hbm>>
        %dma_start3A_70 = arith.constant 0 : i32
        %dma_start3A_71 = tpu.memref_slice %arg3[%add3A_62, %dma_start3A_70] : memref<2560x128xi32, #tpu.memory_space<hbm>> -> memref<16x128xi32, #tpu.memory_space<hbm>>
        tpu.enqueue_dma source(%dma_start3A_71 : memref<16x128xi32, #tpu.memory_space<hbm>>) target(%arg7 : memref<16x128xi32, #tpu.memory_space<vmem>>) target_semaphore(%run_scoped3A : memref<!tpu.dma_semaphore, #tpu.memory_space<semaphore_mem>>)
        %dma_wait3A = arith.constant 0 : i32
        %dma_wait3A_72 = tpu.memref_slice %arg3[%add3A_62, %dma_wait3A] : memref<2560x128xi32, #tpu.memory_space<hbm>> -> memref<16x128xi32, #tpu.memory_space<hbm>>
        %dma_wait3A_73 = arith.constant 0 : i32
        %dma_wait3A_74 = tpu.memref_slice %arg3[%add3A_62, %dma_wait3A_73] : memref<2560x128xi32, #tpu.memory_space<hbm>> -> memref<16x128xi32, #tpu.memory_space<hbm>>
        tpu.wait_dma2 semaphore(%run_scoped3A : memref<!tpu.dma_semaphore, #tpu.memory_space<semaphore_mem>>) src(%dma_wait3A_74 : memref<16x128xi32, #tpu.memory_space<hbm>>) dst(%arg7 : memref<16x128xi32, #tpu.memory_space<vmem>>)
        tpu.yield
      }) : () -> ()
      %scan3A_63 = arith.constant 0 : i32
      %scan3A_64 = arith.constant 0 : i32
      %scan3A_65 = arith.constant 16 : i32
      %scan3A_66 = arith.addi %scan3A_64, %scan3A_65 : i32
      %scan3A_67 = arith.constant 1 : i32
      scf.for %scan3A_69 = %scan3A_64 to %scan3A_66 step %scan3A_67  : i32 {
        "tpu.region"() ({
          %run_scoped3A = tpu.sem_alloc : memref<!tpu.dma_semaphore, #tpu.memory_space<semaphore_mem>>
          %dma_start3A = arith.constant 0 : i32
          %dma_start3A_70 = tpu.memref_slice %arg6[%scan3A_69, %dma_start3A] : memref<16x128xi32, #tpu.memory_space<vmem>> -> memref<1x128xi32, #tpu.memory_space<vmem>>
          %dma_start3A_71 = tpu.memref_squeeze %dma_start3A_70 : memref<1x128xi32, #tpu.memory_space<vmem>> -> memref<128xi32, #tpu.memory_space<vmem>>
          %dma_start3A_72 = arith.constant 0 : i32
          %dma_start3A_73 = arith.constant 0 : i32
          %dma_start3A_74 = tpu.memref_slice %arg4[%dma_start3A_72, %dma_start3A_73] : memref<10000x128xf32, #tpu.memory_space<hbm>> -> memref<10000x128xf32, #tpu.memory_space<hbm>>
          tpu.enqueue_indirect_dma source(%dma_start3A_74 : memref<10000x128xf32, #tpu.memory_space<hbm>>) target(%arg8 : memref<128x128xf32, #tpu.memory_space<vmem>>) offsets(%dma_start3A_71 : memref<128xi32, #tpu.memory_space<vmem>>) semaphore(%run_scoped3A : memref<!tpu.dma_semaphore, #tpu.memory_space<semaphore_mem>>)
          %dma_wait3A = arith.constant 0 : i32
          %dma_wait3A_75 = tpu.memref_slice %arg6[%scan3A_69, %dma_wait3A] : memref<16x128xi32, #tpu.memory_space<vmem>> -> memref<1x128xi32, #tpu.memory_space<vmem>>
          %dma_wait3A_76 = tpu.memref_squeeze %dma_wait3A_75 : memref<1x128xi32, #tpu.memory_space<vmem>> -> memref<128xi32, #tpu.memory_space<vmem>>
          %dma_wait3A_77 = arith.constant 0 : i32
          %dma_wait3A_78 = arith.constant 0 : i32
          %dma_wait3A_79 = tpu.memref_slice %arg4[%dma_wait3A_77, %dma_wait3A_78] : memref<10000x128xf32, #tpu.memory_space<hbm>> -> memref<10000x128xf32, #tpu.memory_space<hbm>>
          tpu.wait_indirect_dma semaphore(%run_scoped3A : memref<!tpu.dma_semaphore, #tpu.memory_space<semaphore_mem>>) src(%dma_wait3A_79 : memref<10000x128xf32, #tpu.memory_space<hbm>>) dst(%arg8 : memref<128x128xf32, #tpu.memory_space<vmem>>)
          tpu.yield
        }) : () -> ()
        "tpu.region"() ({
          %run_scoped3A = tpu.sem_alloc : memref<!tpu.dma_semaphore, #tpu.memory_space<semaphore_mem>>
          %dma_start3A = arith.constant 0 : i32
          %dma_start3A_70 = tpu.memref_slice %arg7[%scan3A_69, %dma_start3A] : memref<16x128xi32, #tpu.memory_space<vmem>> -> memref<1x128xi32, #tpu.memory_space<vmem>>
          %dma_start3A_71 = tpu.memref_squeeze %dma_start3A_70 : memref<1x128xi32, #tpu.memory_space<vmem>> -> memref<128xi32, #tpu.memory_space<vmem>>
          %dma_start3A_72 = arith.constant 0 : i32
          %dma_start3A_73 = arith.constant 0 : i32
          %dma_start3A_74 = tpu.memref_slice %arg9[%dma_start3A_72, %dma_start3A_73] : memref<10240x128xf32, #tpu.memory_space<vmem_shared>> -> memref<10240x128xf32, #tpu.memory_space<vmem_shared>>
          tpu.enqueue_indirect_dma source(%arg8 : memref<128x128xf32, #tpu.memory_space<vmem>>) target(%dma_start3A_74 : memref<10240x128xf32, #tpu.memory_space<vmem_shared>>) offsets(%dma_start3A_71 : memref<128xi32, #tpu.memory_space<vmem>>) semaphore(%run_scoped3A : memref<!tpu.dma_semaphore, #tpu.memory_space<semaphore_mem>>) {add = true}
          %dma_wait3A = arith.constant 0 : i32
          %dma_wait3A_75 = tpu.memref_slice %arg7[%scan3A_69, %dma_wait3A] : memref<16x128xi32, #tpu.memory_space<vmem>> -> memref<1x128xi32, #tpu.memory_space<vmem>>
          %dma_wait3A_76 = tpu.memref_squeeze %dma_wait3A_75 : memref<1x128xi32, #tpu.memory_space<vmem>> -> memref<128xi32, #tpu.memory_space<vmem>>
          %dma_wait3A_77 = arith.constant 0 : i32
          %dma_wait3A_78 = arith.constant 0 : i32
          %dma_wait3A_79 = tpu.memref_slice %arg9[%dma_wait3A_77, %dma_wait3A_78] : memref<10240x128xf32, #tpu.memory_space<vmem_shared>> -> memref<10240x128xf32, #tpu.memory_space<vmem_shared>>
          tpu.wait_indirect_dma semaphore(%run_scoped3A : memref<!tpu.dma_semaphore, #tpu.memory_space<semaphore_mem>>) src(%arg8 : memref<128x128xf32, #tpu.memory_space<vmem>>) dst(%dma_wait3A_79 : memref<10240x128xf32, #tpu.memory_space<vmem_shared>>)
          tpu.yield
        }) : () -> ()
      }
      %scan3A_68 = arith.constant 16 : i32
    }
    %while3A_37 = arith.constant 1 : i32
    scf.for %while3A_59 = %while3A_35 to %while3A_31 step %while3A_37  : i32 {
      %mul3A_60 = arith.constant 16 : i32
      %mul3A_61 = arith.muli %while3A_59, %mul3A_60 : i32
      %add3A_62 = arith.addi %select_n3A, %mul3A_61 : i32
      "tpu.region"() ({
        %run_scoped3A = tpu.sem_alloc : memref<!tpu.dma_semaphore, #tpu.memory_space<semaphore_mem>>
        %dma_start3A = arith.constant 0 : i32
        %dma_start3A_69 = tpu.memref_slice %arg2[%add3A_62, %dma_start3A] : memref<2560x128xi32, #tpu.memory_space<hbm>> -> memref<16x128xi32, #tpu.memory_space<hbm>>
        %dma_start3A_70 = arith.constant 0 : i32
        %dma_start3A_71 = tpu.memref_slice %arg2[%add3A_62, %dma_start3A_70] : memref<2560x128xi32, #tpu.memory_space<hbm>> -> memref<16x128xi32, #tpu.memory_space<hbm>>
        tpu.enqueue_dma source(%dma_start3A_71 : memref<16x128xi32, #tpu.memory_space<hbm>>) target(%arg6 : memref<16x128xi32, #tpu.memory_space<vmem>>) target_semaphore(%run_scoped3A : memref<!tpu.dma_semaphore, #tpu.memory_space<semaphore_mem>>)
        %dma_wait3A = arith.constant 0 : i32
        %dma_wait3A_72 = tpu.memref_slice %arg2[%add3A_62, %dma_wait3A] : memref<2560x128xi32, #tpu.memory_space<hbm>> -> memref<16x128xi32, #tpu.memory_space<hbm>>
        %dma_wait3A_73 = arith.constant 0 : i32
        %dma_wait3A_74 = tpu.memref_slice %arg2[%add3A_62, %dma_wait3A_73] : memref<2560x128xi32, #tpu.memory_space<hbm>> -> memref<16x128xi32, #tpu.memory_space<hbm>>
        tpu.wait_dma2 semaphore(%run_scoped3A : memref<!tpu.dma_semaphore, #tpu.memory_space<semaphore_mem>>) src(%dma_wait3A_74 : memref<16x128xi32, #tpu.memory_space<hbm>>) dst(%arg6 : memref<16x128xi32, #tpu.memory_space<vmem>>)
        tpu.yield
      }) : () -> ()
      "tpu.region"() ({
        %run_scoped3A = tpu.sem_alloc : memref<!tpu.dma_semaphore, #tpu.memory_space<semaphore_mem>>
        %dma_start3A = arith.constant 0 : i32
        %dma_start3A_69 = tpu.memref_slice %arg3[%add3A_62, %dma_start3A] : memref<2560x128xi32, #tpu.memory_space<hbm>> -> memref<16x128xi32, #tpu.memory_space<hbm>>
        %dma_start3A_70 = arith.constant 0 : i32
        %dma_start3A_71 = tpu.memref_slice %arg3[%add3A_62, %dma_start3A_70] : memref<2560x128xi32, #tpu.memory_space<hbm>> -> memref<16x128xi32, #tpu.memory_space<hbm>>
        tpu.enqueue_dma source(%dma_start3A_71 : memref<16x128xi32, #tpu.memory_space<hbm>>) target(%arg7 : memref<16x128xi32, #tpu.memory_space<vmem>>) target_semaphore(%run_scoped3A : memref<!tpu.dma_semaphore, #tpu.memory_space<semaphore_mem>>)
        %dma_wait3A = arith.constant 0 : i32
        %dma_wait3A_72 = tpu.memref_slice %arg3[%add3A_62, %dma_wait3A] : memref<2560x128xi32, #tpu.memory_space<hbm>> -> memref<16x128xi32, #tpu.memory_space<hbm>>
        %dma_wait3A_73 = arith.constant 0 : i32
        %dma_wait3A_74 = tpu.memref_slice %arg3[%add3A_62, %dma_wait3A_73] : memref<2560x128xi32, #tpu.memory_space<hbm>> -> memref<16x128xi32, #tpu.memory_space<hbm>>
        tpu.wait_dma2 semaphore(%run_scoped3A : memref<!tpu.dma_semaphore, #tpu.memory_space<semaphore_mem>>) src(%dma_wait3A_74 : memref<16x128xi32, #tpu.memory_space<hbm>>) dst(%arg7 : memref<16x128xi32, #tpu.memory_space<vmem>>)
        tpu.yield
      }) : () -> ()
      %scan3A_63 = arith.constant 0 : i32
      %scan3A_64 = arith.constant 0 : i32
      %scan3A_65 = arith.constant 16 : i32
      %scan3A_66 = arith.addi %scan3A_64, %scan3A_65 : i32
      %scan3A_67 = arith.constant 1 : i32
      scf.for %scan3A_69 = %scan3A_64 to %scan3A_66 step %scan3A_67  : i32 {
        "tpu.region"() ({
          %run_scoped3A = tpu.sem_alloc : memref<!tpu.dma_semaphore, #tpu.memory_space<semaphore_mem>>
          %dma_start3A = arith.constant 0 : i32
          %dma_start3A_70 = tpu.memref_slice %arg6[%scan3A_69, %dma_start3A] : memref<16x128xi32, #tpu.memory_space<vmem>> -> memref<1x128xi32, #tpu.memory_space<vmem>>
          %dma_start3A_71 = tpu.memref_squeeze %dma_start3A_70 : memref<1x128xi32, #tpu.memory_space<vmem>> -> memref<128xi32, #tpu.memory_space<vmem>>
          %dma_start3A_72 = arith.constant 0 : i32
          %dma_start3A_73 = arith.constant 0 : i32
          %dma_start3A_74 = tpu.memref_slice %arg4[%dma_start3A_72, %dma_start3A_73] : memref<10000x128xf32, #tpu.memory_space<hbm>> -> memref<10000x128xf32, #tpu.memory_space<hbm>>
          tpu.enqueue_indirect_dma source(%dma_start3A_74 : memref<10000x128xf32, #tpu.memory_space<hbm>>) target(%arg8 : memref<128x128xf32, #tpu.memory_space<vmem>>) offsets(%dma_start3A_71 : memref<128xi32, #tpu.memory_space<vmem>>) semaphore(%run_scoped3A : memref<!tpu.dma_semaphore, #tpu.memory_space<semaphore_mem>>)
          %dma_wait3A = arith.constant 0 : i32
          %dma_wait3A_75 = tpu.memref_slice %arg6[%scan3A_69, %dma_wait3A] : memref<16x128xi32, #tpu.memory_space<vmem>> -> memref<1x128xi32, #tpu.memory_space<vmem>>
          %dma_wait3A_76 = tpu.memref_squeeze %dma_wait3A_75 : memref<1x128xi32, #tpu.memory_space<vmem>> -> memref<128xi32, #tpu.memory_space<vmem>>
          %dma_wait3A_77 = arith.constant 0 : i32
          %dma_wait3A_78 = arith.constant 0 : i32
          %dma_wait3A_79 = tpu.memref_slice %arg4[%dma_wait3A_77, %dma_wait3A_78] : memref<10000x128xf32, #tpu.memory_space<hbm>> -> memref<10000x128xf32, #tpu.memory_space<hbm>>
          tpu.wait_indirect_dma semaphore(%run_scoped3A : memref<!tpu.dma_semaphore, #tpu.memory_space<semaphore_mem>>) src(%dma_wait3A_79 : memref<10000x128xf32, #tpu.memory_space<hbm>>) dst(%arg8 : memref<128x128xf32, #tpu.memory_space<vmem>>)
          tpu.yield
        }) : () -> ()
        "tpu.region"() ({
          %run_scoped3A = tpu.sem_alloc : memref<!tpu.dma_semaphore, #tpu.memory_space<semaphore_mem>>
          %dma_start3A = arith.constant 0 : i32
          %dma_start3A_70 = tpu.memref_slice %arg7[%scan3A_69, %dma_start3A] : memref<16x128xi32, #tpu.memory_space<vmem>> -> memref<1x128xi32, #tpu.memory_space<vmem>>
          %dma_start3A_71 = tpu.memref_squeeze %dma_start3A_70 : memref<1x128xi32, #tpu.memory_space<vmem>> -> memref<128xi32, #tpu.memory_space<vmem>>
          %dma_start3A_72 = arith.constant 0 : i32
          %dma_start3A_73 = arith.constant 0 : i32
          %dma_start3A_74 = tpu.memref_slice %arg9[%dma_start3A_72, %dma_start3A_73] : memref<10240x128xf32, #tpu.memory_space<vmem_shared>> -> memref<10240x128xf32, #tpu.memory_space<vmem_shared>>
          tpu.enqueue_indirect_dma source(%arg8 : memref<128x128xf32, #tpu.memory_space<vmem>>) target(%dma_start3A_74 : memref<10240x128xf32, #tpu.memory_space<vmem_shared>>) offsets(%dma_start3A_71 : memref<128xi32, #tpu.memory_space<vmem>>) semaphore(%run_scoped3A : memref<!tpu.dma_semaphore, #tpu.memory_space<semaphore_mem>>) {add = true}
          %dma_wait3A = arith.constant 0 : i32
          %dma_wait3A_75 = tpu.memref_slice %arg7[%scan3A_69, %dma_wait3A] : memref<16x128xi32, #tpu.memory_space<vmem>> -> memref<1x128xi32, #tpu.memory_space<vmem>>
          %dma_wait3A_76 = tpu.memref_squeeze %dma_wait3A_75 : memref<1x128xi32, #tpu.memory_space<vmem>> -> memref<128xi32, #tpu.memory_space<vmem>>
          %dma_wait3A_77 = arith.constant 0 : i32
          %dma_wait3A_78 = arith.constant 0 : i32
          %dma_wait3A_79 = tpu.memref_slice %arg9[%dma_wait3A_77, %dma_wait3A_78] : memref<10240x128xf32, #tpu.memory_space<vmem_shared>> -> memref<10240x128xf32, #tpu.memory_space<vmem_shared>>
          tpu.wait_indirect_dma semaphore(%run_scoped3A : memref<!tpu.dma_semaphore, #tpu.memory_space<semaphore_mem>>) src(%arg8 : memref<128x128xf32, #tpu.memory_space<vmem>>) dst(%dma_wait3A_79 : memref<10240x128xf32, #tpu.memory_space<vmem_shared>>)
          tpu.yield
        }) : () -> ()
      }
      %scan3A_68 = arith.constant 16 : i32
    }
    %barrier3A_38 = arith.constant 0 : index
    tpu.barrier barrier_id(%barrier3A_38)
    %add3A_39 = arith.constant 0 : i32
    %add3A_40 = arith.addi %mul3A_2, %add3A_39 : i32
    %add3A_41 = arith.constant 0 : i32
    %add3A_42 = arith.addi %mul3A_2, %add3A_41 : i32
    "tpu.region"() ({
      %run_scoped3A = tpu.sem_alloc : memref<!tpu.dma_semaphore, #tpu.memory_space<semaphore_mem>>
      %dma_start3A = arith.constant 0 : i32
      %dma_start3A_59 = tpu.memref_slice %arg5[%arg0, %add3A_42, %dma_start3A] : memref<2x10240x128xf32, #tpu.memory_space<hbm>> -> memref<1x128x128xf32, #tpu.memory_space<hbm>>
      %dma_start3A_60 = tpu.memref_squeeze %dma_start3A_59 : memref<1x128x128xf32, #tpu.memory_space<hbm>> -> memref<128x128xf32, #tpu.memory_space<hbm>>
      %dma_start3A_61 = arith.constant 0 : i32
      %dma_start3A_62 = tpu.memref_slice %arg9[%add3A_40, %dma_start3A_61] : memref<10240x128xf32, #tpu.memory_space<vmem_shared>> -> memref<128x128xf32, #tpu.memory_space<vmem_shared>>
      tpu.enqueue_dma source(%dma_start3A_62 : memref<128x128xf32, #tpu.memory_space<vmem_shared>>) target(%dma_start3A_60 : memref<128x128xf32, #tpu.memory_space<hbm>>) target_semaphore(%run_scoped3A : memref<!tpu.dma_semaphore, #tpu.memory_space<semaphore_mem>>)
      %dma_wait3A = arith.constant 0 : i32
      %dma_wait3A_63 = tpu.memref_slice %arg5[%arg0, %add3A_42, %dma_wait3A] : memref<2x10240x128xf32, #tpu.memory_space<hbm>> -> memref<1x128x128xf32, #tpu.memory_space<hbm>>
      %dma_wait3A_64 = tpu.memref_squeeze %dma_wait3A_63 : memref<1x128x128xf32, #tpu.memory_space<hbm>> -> memref<128x128xf32, #tpu.memory_space<hbm>>
      %dma_wait3A_65 = arith.constant 0 : i32
      %dma_wait3A_66 = tpu.memref_slice %arg9[%add3A_40, %dma_wait3A_65] : memref<10240x128xf32, #tpu.memory_space<vmem_shared>> -> memref<128x128xf32, #tpu.memory_space<vmem_shared>>
      tpu.wait_dma2 semaphore(%run_scoped3A : memref<!tpu.dma_semaphore, #tpu.memory_space<semaphore_mem>>) src(%dma_wait3A_66 : memref<128x128xf32, #tpu.memory_space<vmem_shared>>) dst(%dma_wait3A_64 : memref<128x128xf32, #tpu.memory_space<hbm>>)
      tpu.yield
    }) : () -> ()
    %add3A_43 = arith.constant 128 : i32
    %add3A_44 = arith.addi %mul3A_2, %add3A_43 : i32
    %add3A_45 = arith.constant 128 : i32
    %add3A_46 = arith.addi %mul3A_2, %add3A_45 : i32
    "tpu.region"() ({
      %run_scoped3A = tpu.sem_alloc : memref<!tpu.dma_semaphore, #tpu.memory_space<semaphore_mem>>
      %dma_start3A = arith.constant 0 : i32
      %dma_start3A_59 = tpu.memref_slice %arg5[%arg0, %add3A_46, %dma_start3A] : memref<2x10240x128xf32, #tpu.memory_space<hbm>> -> memref<1x128x128xf32, #tpu.memory_space<hbm>>
      %dma_start3A_60 = tpu.memref_squeeze %dma_start3A_59 : memref<1x128x128xf32, #tpu.memory_space<hbm>> -> memref<128x128xf32, #tpu.memory_space<hbm>>
      %dma_start3A_61 = arith.constant 0 : i32
      %dma_start3A_62 = tpu.memref_slice %arg9[%add3A_44, %dma_start3A_61] : memref<10240x128xf32, #tpu.memory_space<vmem_shared>> -> memref<128x128xf32, #tpu.memory_space<vmem_shared>>
      tpu.enqueue_dma source(%dma_start3A_62 : memref<128x128xf32, #tpu.memory_space<vmem_shared>>) target(%dma_start3A_60 : memref<128x128xf32, #tpu.memory_space<hbm>>) target_semaphore(%run_scoped3A : memref<!tpu.dma_semaphore, #tpu.memory_space<semaphore_mem>>)
      %dma_wait3A = arith.constant 0 : i32
      %dma_wait3A_63 = tpu.memref_slice %arg5[%arg0, %add3A_46, %dma_wait3A] : memref<2x10240x128xf32, #tpu.memory_space<hbm>> -> memref<1x128x128xf32, #tpu.memory_space<hbm>>
      %dma_wait3A_64 = tpu.memref_squeeze %dma_wait3A_63 : memref<1x128x128xf32, #tpu.memory_space<hbm>> -> memref<128x128xf32, #tpu.memory_space<hbm>>
      %dma_wait3A_65 = arith.constant 0 : i32
      %dma_wait3A_66 = tpu.memref_slice %arg9[%add3A_44, %dma_wait3A_65] : memref<10240x128xf32, #tpu.memory_space<vmem_shared>> -> memref<128x128xf32, #tpu.memory_space<vmem_shared>>
      tpu.wait_dma2 semaphore(%run_scoped3A : memref<!tpu.dma_semaphore, #tpu.memory_space<semaphore_mem>>) src(%dma_wait3A_66 : memref<128x128xf32, #tpu.memory_space<vmem_shared>>) dst(%dma_wait3A_64 : memref<128x128xf32, #tpu.memory_space<hbm>>)
      tpu.yield
    }) : () -> ()
    %add3A_47 = arith.constant 256 : i32
    %add3A_48 = arith.addi %mul3A_2, %add3A_47 : i32
    %add3A_49 = arith.constant 256 : i32
    %add3A_50 = arith.addi %mul3A_2, %add3A_49 : i32
    "tpu.region"() ({
      %run_scoped3A = tpu.sem_alloc : memref<!tpu.dma_semaphore, #tpu.memory_space<semaphore_mem>>
      %dma_start3A = arith.constant 0 : i32
      %dma_start3A_59 = tpu.memref_slice %arg5[%arg0, %add3A_50, %dma_start3A] : memref<2x10240x128xf32, #tpu.memory_space<hbm>> -> memref<1x128x128xf32, #tpu.memory_space<hbm>>
      %dma_start3A_60 = tpu.memref_squeeze %dma_start3A_59 : memref<1x128x128xf32, #tpu.memory_space<hbm>> -> memref<128x128xf32, #tpu.memory_space<hbm>>
      %dma_start3A_61 = arith.constant 0 : i32
      %dma_start3A_62 = tpu.memref_slice %arg9[%add3A_48, %dma_start3A_61] : memref<10240x128xf32, #tpu.memory_space<vmem_shared>> -> memref<128x128xf32, #tpu.memory_space<vmem_shared>>
      tpu.enqueue_dma source(%dma_start3A_62 : memref<128x128xf32, #tpu.memory_space<vmem_shared>>) target(%dma_start3A_60 : memref<128x128xf32, #tpu.memory_space<hbm>>) target_semaphore(%run_scoped3A : memref<!tpu.dma_semaphore, #tpu.memory_space<semaphore_mem>>)
      %dma_wait3A = arith.constant 0 : i32
      %dma_wait3A_63 = tpu.memref_slice %arg5[%arg0, %add3A_50, %dma_wait3A] : memref<2x10240x128xf32, #tpu.memory_space<hbm>> -> memref<1x128x128xf32, #tpu.memory_space<hbm>>
      %dma_wait3A_64 = tpu.memref_squeeze %dma_wait3A_63 : memref<1x128x128xf32, #tpu.memory_space<hbm>> -> memref<128x128xf32, #tpu.memory_space<hbm>>
      %dma_wait3A_65 = arith.constant 0 : i32
      %dma_wait3A_66 = tpu.memref_slice %arg9[%add3A_48, %dma_wait3A_65] : memref<10240x128xf32, #tpu.memory_space<vmem_shared>> -> memref<128x128xf32, #tpu.memory_space<vmem_shared>>
      tpu.wait_dma2 semaphore(%run_scoped3A : memref<!tpu.dma_semaphore, #tpu.memory_space<semaphore_mem>>) src(%dma_wait3A_66 : memref<128x128xf32, #tpu.memory_space<vmem_shared>>) dst(%dma_wait3A_64 : memref<128x128xf32, #tpu.memory_space<hbm>>)
      tpu.yield
    }) : () -> ()
    %add3A_51 = arith.constant 384 : i32
    %add3A_52 = arith.addi %mul3A_2, %add3A_51 : i32
    %add3A_53 = arith.constant 384 : i32
    %add3A_54 = arith.addi %mul3A_2, %add3A_53 : i32
    "tpu.region"() ({
      %run_scoped3A = tpu.sem_alloc : memref<!tpu.dma_semaphore, #tpu.memory_space<semaphore_mem>>
      %dma_start3A = arith.constant 0 : i32
      %dma_start3A_59 = tpu.memref_slice %arg5[%arg0, %add3A_54, %dma_start3A] : memref<2x10240x128xf32, #tpu.memory_space<hbm>> -> memref<1x128x128xf32, #tpu.memory_space<hbm>>
      %dma_start3A_60 = tpu.memref_squeeze %dma_start3A_59 : memref<1x128x128xf32, #tpu.memory_space<hbm>> -> memref<128x128xf32, #tpu.memory_space<hbm>>
      %dma_start3A_61 = arith.constant 0 : i32
      %dma_start3A_62 = tpu.memref_slice %arg9[%add3A_52, %dma_start3A_61] : memref<10240x128xf32, #tpu.memory_space<vmem_shared>> -> memref<128x128xf32, #tpu.memory_space<vmem_shared>>
      tpu.enqueue_dma source(%dma_start3A_62 : memref<128x128xf32, #tpu.memory_space<vmem_shared>>) target(%dma_start3A_60 : memref<128x128xf32, #tpu.memory_space<hbm>>) target_semaphore(%run_scoped3A : memref<!tpu.dma_semaphore, #tpu.memory_space<semaphore_mem>>)
      %dma_wait3A = arith.constant 0 : i32
      %dma_wait3A_63 = tpu.memref_slice %arg5[%arg0, %add3A_54, %dma_wait3A] : memref<2x10240x128xf32, #tpu.memory_space<hbm>> -> memref<1x128x128xf32, #tpu.memory_space<hbm>>
      %dma_wait3A_64 = tpu.memref_squeeze %dma_wait3A_63 : memref<1x128x128xf32, #tpu.memory_space<hbm>> -> memref<128x128xf32, #tpu.memory_space<hbm>>
      %dma_wait3A_65 = arith.constant 0 : i32
      %dma_wait3A_66 = tpu.memref_slice %arg9[%add3A_52, %dma_wait3A_65] : memref<10240x128xf32, #tpu.memory_space<vmem_shared>> -> memref<128x128xf32, #tpu.memory_space<vmem_shared>>
      tpu.wait_dma2 semaphore(%run_scoped3A : memref<!tpu.dma_semaphore, #tpu.memory_space<semaphore_mem>>) src(%dma_wait3A_66 : memref<128x128xf32, #tpu.memory_space<vmem_shared>>) dst(%dma_wait3A_64 : memref<128x128xf32, #tpu.memory_space<hbm>>)
      tpu.yield
    }) : () -> ()
    %add3A_55 = arith.constant 512 : i32
    %add3A_56 = arith.addi %mul3A_2, %add3A_55 : i32
    %add3A_57 = arith.constant 512 : i32
    %add3A_58 = arith.addi %mul3A_2, %add3A_57 : i32
    "tpu.region"() ({
      %run_scoped3A = tpu.sem_alloc : memref<!tpu.dma_semaphore, #tpu.memory_space<semaphore_mem>>
      %dma_start3A = arith.constant 0 : i32
      %dma_start3A_59 = tpu.memref_slice %arg5[%arg0, %add3A_58, %dma_start3A] : memref<2x10240x128xf32, #tpu.memory_space<hbm>> -> memref<1x128x128xf32, #tpu.memory_space<hbm>>
      %dma_start3A_60 = tpu.memref_squeeze %dma_start3A_59 : memref<1x128x128xf32, #tpu.memory_space<hbm>> -> memref<128x128xf32, #tpu.memory_space<hbm>>
      %dma_start3A_61 = arith.constant 0 : i32
      %dma_start3A_62 = tpu.memref_slice %arg9[%add3A_56, %dma_start3A_61] : memref<10240x128xf32, #tpu.memory_space<vmem_shared>> -> memref<128x128xf32, #tpu.memory_space<vmem_shared>>
      tpu.enqueue_dma source(%dma_start3A_62 : memref<128x128xf32, #tpu.memory_space<vmem_shared>>) target(%dma_start3A_60 : memref<128x128xf32, #tpu.memory_space<hbm>>) target_semaphore(%run_scoped3A : memref<!tpu.dma_semaphore, #tpu.memory_space<semaphore_mem>>)
      %dma_wait3A = arith.constant 0 : i32
      %dma_wait3A_63 = tpu.memref_slice %arg5[%arg0, %add3A_58, %dma_wait3A] : memref<2x10240x128xf32, #tpu.memory_space<hbm>> -> memref<1x128x128xf32, #tpu.memory_space<hbm>>
      %dma_wait3A_64 = tpu.memref_squeeze %dma_wait3A_63 : memref<1x128x128xf32, #tpu.memory_space<hbm>> -> memref<128x128xf32, #tpu.memory_space<hbm>>
      %dma_wait3A_65 = arith.constant 0 : i32
      %dma_wait3A_66 = tpu.memref_slice %arg9[%add3A_56, %dma_wait3A_65] : memref<10240x128xf32, #tpu.memory_space<vmem_shared>> -> memref<128x128xf32, #tpu.memory_space<vmem_shared>>
      tpu.wait_dma2 semaphore(%run_scoped3A : memref<!tpu.dma_semaphore, #tpu.memory_space<semaphore_mem>>) src(%dma_wait3A_66 : memref<128x128xf32, #tpu.memory_space<vmem_shared>>) dst(%dma_wait3A_64 : memref<128x128xf32, #tpu.memory_space<hbm>>)
      tpu.yield
    }) : () -> ()
    return
  }
}

#map = affine_map<(d0, d1) -> (0, 0)>
#map1 = affine_map<(d0, d1) -> (0, 0, 0)>
module attributes {stable_mosaic.version = 14 : i64} {
  func.func @_edge_kernel(%arg0: i32, %arg1: i32, %arg2: memref<2560x128xi32, #tpu.memory_space<hbm>>, %arg3: memref<2560x128xi32, #tpu.memory_space<hbm>>, %arg4: memref<10000x128xf32, #tpu.memory_space<hbm>>, %arg5: memref<2x10240x128xf32, #tpu.memory_space<hbm>>, %arg6: memref<16x128xi32, #tpu.memory_space<vmem>>, %arg7: memref<16x128xi32, #tpu.memory_space<vmem>>, %arg8: memref<128x128xf32, #tpu.memory_space<vmem>>, %arg9: memref<10240x128xf32, #tpu.memory_space<vmem_shared>>) attributes {dimension_semantics = [#tpu.dimension_semantics<core_parallel>, #tpu.dimension_semantics<subcore_parallel>], iteration_bounds = array<i64: 2, 16>, scalar_prefetch = 0 : i64, scratch_operands = 4 : i64, tpu.core_type = #tpu.core_type<sc_vector_subcore>, window_params = [{transform_indices = #map}, {transform_indices = #map}, {transform_indices = #map}, {transform_indices = #map1}]} {
    %mul3A = arith.constant 16 : i32
    %mul3A_0 = arith.muli %arg0, %mul3A : i32
    %add3A = arith.addi %mul3A_0, %arg1 : i32
    %mul3A_1 = arith.constant 640 : i32
    %mul3A_2 = arith.muli %arg1, %mul3A_1 : i32
    %scan3A = arith.constant 0 : i32
    %scan3A_3 = arith.constant 0 : i32
    %scan3A_4 = arith.constant 128 : i32
    %scan3A_5 = arith.addi %scan3A_3, %scan3A_4 : i32
    %scan3A_6 = arith.constant 1 : i32
    scf.for %scan3A_59 = %scan3A_3 to %scan3A_5 step %scan3A_6  : i32 {
      %scan3A_60 = arith.constant 0 : i32
      %scan3A_61 = arith.constant 8 : i32
      %scan3A_62 = arith.addi %scan3A_60, %scan3A_61 : i32
      %scan3A_63 = arith.constant 1 : i32
      scf.for %scan3A_65 = %scan3A_60 to %scan3A_62 step %scan3A_63  : i32 {
        %broadcast_in_dim3A = arith.constant 0.000000e+00 : f32
        %broadcast_in_dim3A_66 = vector.broadcast %broadcast_in_dim3A : f32 to vector<16xf32>
        %mul3A_67 = arith.constant 16 : i32
        %mul3A_68 = arith.muli %scan3A_65, %mul3A_67 : i32
        %swap3A = arith.index_cast %scan3A_59 : i32 to index
        %swap3A_69 = arith.index_cast %mul3A_68 : i32 to index
        %swap3A_70 = tpu.vector_load %arg8[%swap3A, %swap3A_69] {strides = array<i32>} : memref<128x128xf32, #tpu.memory_space<vmem>>, vector<1x16xf32>,
        %swap3A_71 = vector.shape_cast %swap3A_70 : vector<1x16xf32> to vector<16xf32>
        %swap3A_72 = vector.shape_cast %broadcast_in_dim3A_66 : vector<16xf32> to vector<1x16xf32>
        tpu.vector_store %arg8[%swap3A, %swap3A_69], %swap3A_72 {strides = array<i32>} : memref<128x128xf32, #tpu.memory_space<vmem>>, vector<1x16xf32>,
      }
      %scan3A_64 = arith.constant 8 : i32
    }
    %scan3A_7 = arith.constant 128 : i32
    %add3A_8 = arith.constant 0 : i32
    %add3A_9 = arith.addi %mul3A_2, %add3A_8 : i32
    "tpu.region"() ({
      %run_scoped3A = tpu.sem_alloc : memref<!tpu.dma_semaphore, #tpu.memory_space<semaphore_mem>>
      %dma_start3A = arith.constant 0 : i32
      %dma_start3A_59 = tpu.memref_slice %arg9[%add3A_9, %dma_start3A] : memref<10240x128xf32, #tpu.memory_space<vmem_shared>> -> memref<128x128xf32, #tpu.memory_space<vmem_shared>>
      %dma_start3A_60 = arith.constant 0 : i32
      %dma_start3A_61 = tpu.memref_slice %arg9[%add3A_9, %dma_start3A_60] : memref<10240x128xf32, #tpu.memory_space<vmem_shared>> -> memref<128x128xf32, #tpu.memory_space<vmem_shared>>
      tpu.enqueue_dma source(%arg8 : memref<128x128xf32, #tpu.memory_space<vmem>>) target(%dma_start3A_61 : memref<128x128xf32, #tpu.memory_space<vmem_shared>>) target_semaphore(%run_scoped3A : memref<!tpu.dma_semaphore, #tpu.memory_space<semaphore_mem>>)
      %dma_wait3A = arith.constant 0 : i32
      %dma_wait3A_62 = tpu.memref_slice %arg9[%add3A_9, %dma_wait3A] : memref<10240x128xf32, #tpu.memory_space<vmem_shared>> -> memref<128x128xf32, #tpu.memory_space<vmem_shared>>
      %dma_wait3A_63 = arith.constant 0 : i32
      %dma_wait3A_64 = tpu.memref_slice %arg9[%add3A_9, %dma_wait3A_63] : memref<10240x128xf32, #tpu.memory_space<vmem_shared>> -> memref<128x128xf32, #tpu.memory_space<vmem_shared>>
      tpu.wait_dma2 semaphore(%run_scoped3A : memref<!tpu.dma_semaphore, #tpu.memory_space<semaphore_mem>>) src(%arg8 : memref<128x128xf32, #tpu.memory_space<vmem>>) dst(%dma_wait3A_64 : memref<128x128xf32, #tpu.memory_space<vmem_shared>>)
      tpu.yield
    }) : () -> ()
    %add3A_10 = arith.constant 128 : i32
    %add3A_11 = arith.addi %mul3A_2, %add3A_10 : i32
    "tpu.region"() ({
      %run_scoped3A = tpu.sem_alloc : memref<!tpu.dma_semaphore, #tpu.memory_space<semaphore_mem>>
      %dma_start3A = arith.constant 0 : i32
      %dma_start3A_59 = tpu.memref_slice %arg9[%add3A_11, %dma_start3A] : memref<10240x128xf32, #tpu.memory_space<vmem_shared>> -> memref<128x128xf32, #tpu.memory_space<vmem_shared>>
      %dma_start3A_60 = arith.constant 0 : i32
      %dma_start3A_61 = tpu.memref_slice %arg9[%add3A_11, %dma_start3A_60] : memref<10240x128xf32, #tpu.memory_space<vmem_shared>> -> memref<128x128xf32, #tpu.memory_space<vmem_shared>>
      tpu.enqueue_dma source(%arg8 : memref<128x128xf32, #tpu.memory_space<vmem>>) target(%dma_start3A_61 : memref<128x128xf32, #tpu.memory_space<vmem_shared>>) target_semaphore(%run_scoped3A : memref<!tpu.dma_semaphore, #tpu.memory_space<semaphore_mem>>)
      %dma_wait3A = arith.constant 0 : i32
      %dma_wait3A_62 = tpu.memref_slice %arg9[%add3A_11, %dma_wait3A] : memref<10240x128xf32, #tpu.memory_space<vmem_shared>> -> memref<128x128xf32, #tpu.memory_space<vmem_shared>>
      %dma_wait3A_63 = arith.constant 0 : i32
      %dma_wait3A_64 = tpu.memref_slice %arg9[%add3A_11, %dma_wait3A_63] : memref<10240x128xf32, #tpu.memory_space<vmem_shared>> -> memref<128x128xf32, #tpu.memory_space<vmem_shared>>
      tpu.wait_dma2 semaphore(%run_scoped3A : memref<!tpu.dma_semaphore, #tpu.memory_space<semaphore_mem>>) src(%arg8 : memref<128x128xf32, #tpu.memory_space<vmem>>) dst(%dma_wait3A_64 : memref<128x128xf32, #tpu.memory_space<vmem_shared>>)
      tpu.yield
    }) : () -> ()
    %add3A_12 = arith.constant 256 : i32
    %add3A_13 = arith.addi %mul3A_2, %add3A_12 : i32
    "tpu.region"() ({
      %run_scoped3A = tpu.sem_alloc : memref<!tpu.dma_semaphore, #tpu.memory_space<semaphore_mem>>
      %dma_start3A = arith.constant 0 : i32
      %dma_start3A_59 = tpu.memref_slice %arg9[%add3A_13, %dma_start3A] : memref<10240x128xf32, #tpu.memory_space<vmem_shared>> -> memref<128x128xf32, #tpu.memory_space<vmem_shared>>
      %dma_start3A_60 = arith.constant 0 : i32
      %dma_start3A_61 = tpu.memref_slice %arg9[%add3A_13, %dma_start3A_60] : memref<10240x128xf32, #tpu.memory_space<vmem_shared>> -> memref<128x128xf32, #tpu.memory_space<vmem_shared>>
      tpu.enqueue_dma source(%arg8 : memref<128x128xf32, #tpu.memory_space<vmem>>) target(%dma_start3A_61 : memref<128x128xf32, #tpu.memory_space<vmem_shared>>) target_semaphore(%run_scoped3A : memref<!tpu.dma_semaphore, #tpu.memory_space<semaphore_mem>>)
      %dma_wait3A = arith.constant 0 : i32
      %dma_wait3A_62 = tpu.memref_slice %arg9[%add3A_13, %dma_wait3A] : memref<10240x128xf32, #tpu.memory_space<vmem_shared>> -> memref<128x128xf32, #tpu.memory_space<vmem_shared>>
      %dma_wait3A_63 = arith.constant 0 : i32
      %dma_wait3A_64 = tpu.memref_slice %arg9[%add3A_13, %dma_wait3A_63] : memref<10240x128xf32, #tpu.memory_space<vmem_shared>> -> memref<128x128xf32, #tpu.memory_space<vmem_shared>>
      tpu.wait_dma2 semaphore(%run_scoped3A : memref<!tpu.dma_semaphore, #tpu.memory_space<semaphore_mem>>) src(%arg8 : memref<128x128xf32, #tpu.memory_space<vmem>>) dst(%dma_wait3A_64 : memref<128x128xf32, #tpu.memory_space<vmem_shared>>)
      tpu.yield
    }) : () -> ()
    %add3A_14 = arith.constant 384 : i32
    %add3A_15 = arith.addi %mul3A_2, %add3A_14 : i32
    "tpu.region"() ({
      %run_scoped3A = tpu.sem_alloc : memref<!tpu.dma_semaphore, #tpu.memory_space<semaphore_mem>>
      %dma_start3A = arith.constant 0 : i32
      %dma_start3A_59 = tpu.memref_slice %arg9[%add3A_15, %dma_start3A] : memref<10240x128xf32, #tpu.memory_space<vmem_shared>> -> memref<128x128xf32, #tpu.memory_space<vmem_shared>>
      %dma_start3A_60 = arith.constant 0 : i32
      %dma_start3A_61 = tpu.memref_slice %arg9[%add3A_15, %dma_start3A_60] : memref<10240x128xf32, #tpu.memory_space<vmem_shared>> -> memref<128x128xf32, #tpu.memory_space<vmem_shared>>
      tpu.enqueue_dma source(%arg8 : memref<128x128xf32, #tpu.memory_space<vmem>>) target(%dma_start3A_61 : memref<128x128xf32, #tpu.memory_space<vmem_shared>>) target_semaphore(%run_scoped3A : memref<!tpu.dma_semaphore, #tpu.memory_space<semaphore_mem>>)
      %dma_wait3A = arith.constant 0 : i32
      %dma_wait3A_62 = tpu.memref_slice %arg9[%add3A_15, %dma_wait3A] : memref<10240x128xf32, #tpu.memory_space<vmem_shared>> -> memref<128x128xf32, #tpu.memory_space<vmem_shared>>
      %dma_wait3A_63 = arith.constant 0 : i32
      %dma_wait3A_64 = tpu.memref_slice %arg9[%add3A_15, %dma_wait3A_63] : memref<10240x128xf32, #tpu.memory_space<vmem_shared>> -> memref<128x128xf32, #tpu.memory_space<vmem_shared>>
      tpu.wait_dma2 semaphore(%run_scoped3A : memref<!tpu.dma_semaphore, #tpu.memory_space<semaphore_mem>>) src(%arg8 : memref<128x128xf32, #tpu.memory_space<vmem>>) dst(%dma_wait3A_64 : memref<128x128xf32, #tpu.memory_space<vmem_shared>>)
      tpu.yield
    }) : () -> ()
    %add3A_16 = arith.constant 512 : i32
    %add3A_17 = arith.addi %mul3A_2, %add3A_16 : i32
    "tpu.region"() ({
      %run_scoped3A = tpu.sem_alloc : memref<!tpu.dma_semaphore, #tpu.memory_space<semaphore_mem>>
      %dma_start3A = arith.constant 0 : i32
      %dma_start3A_59 = tpu.memref_slice %arg9[%add3A_17, %dma_start3A] : memref<10240x128xf32, #tpu.memory_space<vmem_shared>> -> memref<128x128xf32, #tpu.memory_space<vmem_shared>>
      %dma_start3A_60 = arith.constant 0 : i32
      %dma_start3A_61 = tpu.memref_slice %arg9[%add3A_17, %dma_start3A_60] : memref<10240x128xf32, #tpu.memory_space<vmem_shared>> -> memref<128x128xf32, #tpu.memory_space<vmem_shared>>
      tpu.enqueue_dma source(%arg8 : memref<128x128xf32, #tpu.memory_space<vmem>>) target(%dma_start3A_61 : memref<128x128xf32, #tpu.memory_space<vmem_shared>>) target_semaphore(%run_scoped3A : memref<!tpu.dma_semaphore, #tpu.memory_space<semaphore_mem>>)
      %dma_wait3A = arith.constant 0 : i32
      %dma_wait3A_62 = tpu.memref_slice %arg9[%add3A_17, %dma_wait3A] : memref<10240x128xf32, #tpu.memory_space<vmem_shared>> -> memref<128x128xf32, #tpu.memory_space<vmem_shared>>
      %dma_wait3A_63 = arith.constant 0 : i32
      %dma_wait3A_64 = tpu.memref_slice %arg9[%add3A_17, %dma_wait3A_63] : memref<10240x128xf32, #tpu.memory_space<vmem_shared>> -> memref<128x128xf32, #tpu.memory_space<vmem_shared>>
      tpu.wait_dma2 semaphore(%run_scoped3A : memref<!tpu.dma_semaphore, #tpu.memory_space<semaphore_mem>>) src(%arg8 : memref<128x128xf32, #tpu.memory_space<vmem>>) dst(%dma_wait3A_64 : memref<128x128xf32, #tpu.memory_space<vmem_shared>>)
      tpu.yield
    }) : () -> ()
    %barrier3A = arith.constant 0 : index
    tpu.barrier barrier_id(%barrier3A)
    %eq3A = arith.constant 0 : i32
    %eq3A_18 = arith.cmpi eq, %arg0, %eq3A : i32
    %mul3A_19 = arith.constant 144 : i32
    %mul3A_20 = arith.muli %arg1, %mul3A_19 : i32
    %mul3A_21 = arith.constant 16 : i32
    %mul3A_22 = arith.muli %arg1, %mul3A_21 : i32
    %add3A_23 = arith.constant 2304 : i32
    %add3A_24 = arith.addi %add3A_23, %mul3A_22 : i32
    %select_n3A = arith.select %eq3A_18, %mul3A_20, %add3A_24 : i32
    %eq3A_25 = arith.constant 0 : i32
    %eq3A_26 = arith.cmpi eq, %arg0, %eq3A_25 : i32
    %jit3A = arith.constant 9 : i32
    %jit3A_27 = arith.constant 1 : i32
    %select_n3A_28 = arith.select %eq3A_26, %jit3A, %jit3A_27 : i32
    %while3A = arith.constant 0 : i32
    %while3A_29 = arith.constant 0 : i32
    %while3A_30 = arith.subi %select_n3A_28, %while3A_29 : i32
    %while3A_31 = arith.addi %while3A_29, %while3A_30 : i32
    %while3A_32 = arith.constant 1 : i32
    %while3A_33 = arith.divsi %while3A_30, %while3A_32 : i32
    %while3A_34 = arith.muli %while3A_33, %while3A_32 : i32
    %while3A_35 = arith.addi %while3A_29, %while3A_34 : i32
    %while3A_36 = arith.constant 1 : i32
    scf.for %while3A_59 = %while3A_29 to %while3A_35 step %while3A_36  : i32 {
      %mul3A_60 = arith.constant 16 : i32
      %mul3A_61 = arith.muli %while3A_59, %mul3A_60 : i32
      %add3A_62 = arith.addi %select_n3A, %mul3A_61 : i32
      "tpu.region"() ({
        %run_scoped3A = tpu.sem_alloc : memref<!tpu.dma_semaphore, #tpu.memory_space<semaphore_mem>>
        %dma_start3A = arith.constant 0 : i32
        %dma_start3A_69 = tpu.memref_slice %arg2[%add3A_62, %dma_start3A] : memref<2560x128xi32, #tpu.memory_space<hbm>> -> memref<16x128xi32, #tpu.memory_space<hbm>>
        %dma_start3A_70 = arith.constant 0 : i32
        %dma_start3A_71 = tpu.memref_slice %arg2[%add3A_62, %dma_start3A_70] : memref<2560x128xi32, #tpu.memory_space<hbm>> -> memref<16x128xi32, #tpu.memory_space<hbm>>
        tpu.enqueue_dma source(%dma_start3A_71 : memref<16x128xi32, #tpu.memory_space<hbm>>) target(%arg6 : memref<16x128xi32, #tpu.memory_space<vmem>>) target_semaphore(%run_scoped3A : memref<!tpu.dma_semaphore, #tpu.memory_space<semaphore_mem>>)
        %dma_wait3A = arith.constant 0 : i32
        %dma_wait3A_72 = tpu.memref_slice %arg2[%add3A_62, %dma_wait3A] : memref<2560x128xi32, #tpu.memory_space<hbm>> -> memref<16x128xi32, #tpu.memory_space<hbm>>
        %dma_wait3A_73 = arith.constant 0 : i32
        %dma_wait3A_74 = tpu.memref_slice %arg2[%add3A_62, %dma_wait3A_73] : memref<2560x128xi32, #tpu.memory_space<hbm>> -> memref<16x128xi32, #tpu.memory_space<hbm>>
        tpu.wait_dma2 semaphore(%run_scoped3A : memref<!tpu.dma_semaphore, #tpu.memory_space<semaphore_mem>>) src(%dma_wait3A_74 : memref<16x128xi32, #tpu.memory_space<hbm>>) dst(%arg6 : memref<16x128xi32, #tpu.memory_space<vmem>>)
        tpu.yield
      }) : () -> ()
      "tpu.region"() ({
        %run_scoped3A = tpu.sem_alloc : memref<!tpu.dma_semaphore, #tpu.memory_space<semaphore_mem>>
        %dma_start3A = arith.constant 0 : i32
        %dma_start3A_69 = tpu.memref_slice %arg3[%add3A_62, %dma_start3A] : memref<2560x128xi32, #tpu.memory_space<hbm>> -> memref<16x128xi32, #tpu.memory_space<hbm>>
        %dma_start3A_70 = arith.constant 0 : i32
        %dma_start3A_71 = tpu.memref_slice %arg3[%add3A_62, %dma_start3A_70] : memref<2560x128xi32, #tpu.memory_space<hbm>> -> memref<16x128xi32, #tpu.memory_space<hbm>>
        tpu.enqueue_dma source(%dma_start3A_71 : memref<16x128xi32, #tpu.memory_space<hbm>>) target(%arg7 : memref<16x128xi32, #tpu.memory_space<vmem>>) target_semaphore(%run_scoped3A : memref<!tpu.dma_semaphore, #tpu.memory_space<semaphore_mem>>)
        %dma_wait3A = arith.constant 0 : i32
        %dma_wait3A_72 = tpu.memref_slice %arg3[%add3A_62, %dma_wait3A] : memref<2560x128xi32, #tpu.memory_space<hbm>> -> memref<16x128xi32, #tpu.memory_space<hbm>>
        %dma_wait3A_73 = arith.constant 0 : i32
        %dma_wait3A_74 = tpu.memref_slice %arg3[%add3A_62, %dma_wait3A_73] : memref<2560x128xi32, #tpu.memory_space<hbm>> -> memref<16x128xi32, #tpu.memory_space<hbm>>
        tpu.wait_dma2 semaphore(%run_scoped3A : memref<!tpu.dma_semaphore, #tpu.memory_space<semaphore_mem>>) src(%dma_wait3A_74 : memref<16x128xi32, #tpu.memory_space<hbm>>) dst(%arg7 : memref<16x128xi32, #tpu.memory_space<vmem>>)
        tpu.yield
      }) : () -> ()
      %scan3A_63 = arith.constant 0 : i32
      %scan3A_64 = arith.constant 0 : i32
      %scan3A_65 = arith.constant 16 : i32
      %scan3A_66 = arith.addi %scan3A_64, %scan3A_65 : i32
      %scan3A_67 = arith.constant 1 : i32
      scf.for %scan3A_69 = %scan3A_64 to %scan3A_66 step %scan3A_67  : i32 {
        "tpu.region"() ({
          %run_scoped3A = tpu.sem_alloc : memref<!tpu.dma_semaphore, #tpu.memory_space<semaphore_mem>>
          %dma_start3A = arith.constant 0 : i32
          %dma_start3A_70 = tpu.memref_slice %arg6[%scan3A_69, %dma_start3A] : memref<16x128xi32, #tpu.memory_space<vmem>> -> memref<1x128xi32, #tpu.memory_space<vmem>>
          %dma_start3A_71 = tpu.memref_squeeze %dma_start3A_70 : memref<1x128xi32, #tpu.memory_space<vmem>> -> memref<128xi32, #tpu.memory_space<vmem>>
          %dma_start3A_72 = arith.constant 0 : i32
          %dma_start3A_73 = arith.constant 0 : i32
          %dma_start3A_74 = tpu.memref_slice %arg4[%dma_start3A_72, %dma_start3A_73] : memref<10000x128xf32, #tpu.memory_space<hbm>> -> memref<10000x128xf32, #tpu.memory_space<hbm>>
          tpu.enqueue_indirect_dma source(%dma_start3A_74 : memref<10000x128xf32, #tpu.memory_space<hbm>>) target(%arg8 : memref<128x128xf32, #tpu.memory_space<vmem>>) offsets(%dma_start3A_71 : memref<128xi32, #tpu.memory_space<vmem>>) semaphore(%run_scoped3A : memref<!tpu.dma_semaphore, #tpu.memory_space<semaphore_mem>>)
          %dma_wait3A = arith.constant 0 : i32
          %dma_wait3A_75 = tpu.memref_slice %arg6[%scan3A_69, %dma_wait3A] : memref<16x128xi32, #tpu.memory_space<vmem>> -> memref<1x128xi32, #tpu.memory_space<vmem>>
          %dma_wait3A_76 = tpu.memref_squeeze %dma_wait3A_75 : memref<1x128xi32, #tpu.memory_space<vmem>> -> memref<128xi32, #tpu.memory_space<vmem>>
          %dma_wait3A_77 = arith.constant 0 : i32
          %dma_wait3A_78 = arith.constant 0 : i32
          %dma_wait3A_79 = tpu.memref_slice %arg4[%dma_wait3A_77, %dma_wait3A_78] : memref<10000x128xf32, #tpu.memory_space<hbm>> -> memref<10000x128xf32, #tpu.memory_space<hbm>>
          tpu.wait_indirect_dma semaphore(%run_scoped3A : memref<!tpu.dma_semaphore, #tpu.memory_space<semaphore_mem>>) src(%dma_wait3A_79 : memref<10000x128xf32, #tpu.memory_space<hbm>>) dst(%arg8 : memref<128x128xf32, #tpu.memory_space<vmem>>)
          tpu.yield
        }) : () -> ()
        "tpu.region"() ({
          %run_scoped3A = tpu.sem_alloc : memref<!tpu.dma_semaphore, #tpu.memory_space<semaphore_mem>>
          %dma_start3A = arith.constant 0 : i32
          %dma_start3A_70 = tpu.memref_slice %arg7[%scan3A_69, %dma_start3A] : memref<16x128xi32, #tpu.memory_space<vmem>> -> memref<1x128xi32, #tpu.memory_space<vmem>>
          %dma_start3A_71 = tpu.memref_squeeze %dma_start3A_70 : memref<1x128xi32, #tpu.memory_space<vmem>> -> memref<128xi32, #tpu.memory_space<vmem>>
          %dma_start3A_72 = arith.constant 0 : i32
          %dma_start3A_73 = arith.constant 0 : i32
          %dma_start3A_74 = tpu.memref_slice %arg9[%dma_start3A_72, %dma_start3A_73] : memref<10240x128xf32, #tpu.memory_space<vmem_shared>> -> memref<10240x128xf32, #tpu.memory_space<vmem_shared>>
          tpu.enqueue_indirect_dma source(%arg8 : memref<128x128xf32, #tpu.memory_space<vmem>>) target(%dma_start3A_74 : memref<10240x128xf32, #tpu.memory_space<vmem_shared>>) offsets(%dma_start3A_71 : memref<128xi32, #tpu.memory_space<vmem>>) semaphore(%run_scoped3A : memref<!tpu.dma_semaphore, #tpu.memory_space<semaphore_mem>>) {add = true}
          %dma_wait3A = arith.constant 0 : i32
          %dma_wait3A_75 = tpu.memref_slice %arg7[%scan3A_69, %dma_wait3A] : memref<16x128xi32, #tpu.memory_space<vmem>> -> memref<1x128xi32, #tpu.memory_space<vmem>>
          %dma_wait3A_76 = tpu.memref_squeeze %dma_wait3A_75 : memref<1x128xi32, #tpu.memory_space<vmem>> -> memref<128xi32, #tpu.memory_space<vmem>>
          %dma_wait3A_77 = arith.constant 0 : i32
          %dma_wait3A_78 = arith.constant 0 : i32
          %dma_wait3A_79 = tpu.memref_slice %arg9[%dma_wait3A_77, %dma_wait3A_78] : memref<10240x128xf32, #tpu.memory_space<vmem_shared>> -> memref<10240x128xf32, #tpu.memory_space<vmem_shared>>
          tpu.wait_indirect_dma semaphore(%run_scoped3A : memref<!tpu.dma_semaphore, #tpu.memory_space<semaphore_mem>>) src(%arg8 : memref<128x128xf32, #tpu.memory_space<vmem>>) dst(%dma_wait3A_79 : memref<10240x128xf32, #tpu.memory_space<vmem_shared>>)
          tpu.yield
        }) : () -> ()
      }
      %scan3A_68 = arith.constant 16 : i32
    }
    %while3A_37 = arith.constant 1 : i32
    scf.for %while3A_59 = %while3A_35 to %while3A_31 step %while3A_37  : i32 {
      %mul3A_60 = arith.constant 16 : i32
      %mul3A_61 = arith.muli %while3A_59, %mul3A_60 : i32
      %add3A_62 = arith.addi %select_n3A, %mul3A_61 : i32
      "tpu.region"() ({
        %run_scoped3A = tpu.sem_alloc : memref<!tpu.dma_semaphore, #tpu.memory_space<semaphore_mem>>
        %dma_start3A = arith.constant 0 : i32
        %dma_start3A_69 = tpu.memref_slice %arg2[%add3A_62, %dma_start3A] : memref<2560x128xi32, #tpu.memory_space<hbm>> -> memref<16x128xi32, #tpu.memory_space<hbm>>
        %dma_start3A_70 = arith.constant 0 : i32
        %dma_start3A_71 = tpu.memref_slice %arg2[%add3A_62, %dma_start3A_70] : memref<2560x128xi32, #tpu.memory_space<hbm>> -> memref<16x128xi32, #tpu.memory_space<hbm>>
        tpu.enqueue_dma source(%dma_start3A_71 : memref<16x128xi32, #tpu.memory_space<hbm>>) target(%arg6 : memref<16x128xi32, #tpu.memory_space<vmem>>) target_semaphore(%run_scoped3A : memref<!tpu.dma_semaphore, #tpu.memory_space<semaphore_mem>>)
        %dma_wait3A = arith.constant 0 : i32
        %dma_wait3A_72 = tpu.memref_slice %arg2[%add3A_62, %dma_wait3A] : memref<2560x128xi32, #tpu.memory_space<hbm>> -> memref<16x128xi32, #tpu.memory_space<hbm>>
        %dma_wait3A_73 = arith.constant 0 : i32
        %dma_wait3A_74 = tpu.memref_slice %arg2[%add3A_62, %dma_wait3A_73] : memref<2560x128xi32, #tpu.memory_space<hbm>> -> memref<16x128xi32, #tpu.memory_space<hbm>>
        tpu.wait_dma2 semaphore(%run_scoped3A : memref<!tpu.dma_semaphore, #tpu.memory_space<semaphore_mem>>) src(%dma_wait3A_74 : memref<16x128xi32, #tpu.memory_space<hbm>>) dst(%arg6 : memref<16x128xi32, #tpu.memory_space<vmem>>)
        tpu.yield
      }) : () -> ()
      "tpu.region"() ({
        %run_scoped3A = tpu.sem_alloc : memref<!tpu.dma_semaphore, #tpu.memory_space<semaphore_mem>>
        %dma_start3A = arith.constant 0 : i32
        %dma_start3A_69 = tpu.memref_slice %arg3[%add3A_62, %dma_start3A] : memref<2560x128xi32, #tpu.memory_space<hbm>> -> memref<16x128xi32, #tpu.memory_space<hbm>>
        %dma_start3A_70 = arith.constant 0 : i32
        %dma_start3A_71 = tpu.memref_slice %arg3[%add3A_62, %dma_start3A_70] : memref<2560x128xi32, #tpu.memory_space<hbm>> -> memref<16x128xi32, #tpu.memory_space<hbm>>
        tpu.enqueue_dma source(%dma_start3A_71 : memref<16x128xi32, #tpu.memory_space<hbm>>) target(%arg7 : memref<16x128xi32, #tpu.memory_space<vmem>>) target_semaphore(%run_scoped3A : memref<!tpu.dma_semaphore, #tpu.memory_space<semaphore_mem>>)
        %dma_wait3A = arith.constant 0 : i32
        %dma_wait3A_72 = tpu.memref_slice %arg3[%add3A_62, %dma_wait3A] : memref<2560x128xi32, #tpu.memory_space<hbm>> -> memref<16x128xi32, #tpu.memory_space<hbm>>
        %dma_wait3A_73 = arith.constant 0 : i32
        %dma_wait3A_74 = tpu.memref_slice %arg3[%add3A_62, %dma_wait3A_73] : memref<2560x128xi32, #tpu.memory_space<hbm>> -> memref<16x128xi32, #tpu.memory_space<hbm>>
        tpu.wait_dma2 semaphore(%run_scoped3A : memref<!tpu.dma_semaphore, #tpu.memory_space<semaphore_mem>>) src(%dma_wait3A_74 : memref<16x128xi32, #tpu.memory_space<hbm>>) dst(%arg7 : memref<16x128xi32, #tpu.memory_space<vmem>>)
        tpu.yield
      }) : () -> ()
      %scan3A_63 = arith.constant 0 : i32
      %scan3A_64 = arith.constant 0 : i32
      %scan3A_65 = arith.constant 16 : i32
      %scan3A_66 = arith.addi %scan3A_64, %scan3A_65 : i32
      %scan3A_67 = arith.constant 1 : i32
      scf.for %scan3A_69 = %scan3A_64 to %scan3A_66 step %scan3A_67  : i32 {
        "tpu.region"() ({
          %run_scoped3A = tpu.sem_alloc : memref<!tpu.dma_semaphore, #tpu.memory_space<semaphore_mem>>
          %dma_start3A = arith.constant 0 : i32
          %dma_start3A_70 = tpu.memref_slice %arg6[%scan3A_69, %dma_start3A] : memref<16x128xi32, #tpu.memory_space<vmem>> -> memref<1x128xi32, #tpu.memory_space<vmem>>
          %dma_start3A_71 = tpu.memref_squeeze %dma_start3A_70 : memref<1x128xi32, #tpu.memory_space<vmem>> -> memref<128xi32, #tpu.memory_space<vmem>>
          %dma_start3A_72 = arith.constant 0 : i32
          %dma_start3A_73 = arith.constant 0 : i32
          %dma_start3A_74 = tpu.memref_slice %arg4[%dma_start3A_72, %dma_start3A_73] : memref<10000x128xf32, #tpu.memory_space<hbm>> -> memref<10000x128xf32, #tpu.memory_space<hbm>>
          tpu.enqueue_indirect_dma source(%dma_start3A_74 : memref<10000x128xf32, #tpu.memory_space<hbm>>) target(%arg8 : memref<128x128xf32, #tpu.memory_space<vmem>>) offsets(%dma_start3A_71 : memref<128xi32, #tpu.memory_space<vmem>>) semaphore(%run_scoped3A : memref<!tpu.dma_semaphore, #tpu.memory_space<semaphore_mem>>)
          %dma_wait3A = arith.constant 0 : i32
          %dma_wait3A_75 = tpu.memref_slice %arg6[%scan3A_69, %dma_wait3A] : memref<16x128xi32, #tpu.memory_space<vmem>> -> memref<1x128xi32, #tpu.memory_space<vmem>>
          %dma_wait3A_76 = tpu.memref_squeeze %dma_wait3A_75 : memref<1x128xi32, #tpu.memory_space<vmem>> -> memref<128xi32, #tpu.memory_space<vmem>>
          %dma_wait3A_77 = arith.constant 0 : i32
          %dma_wait3A_78 = arith.constant 0 : i32
          %dma_wait3A_79 = tpu.memref_slice %arg4[%dma_wait3A_77, %dma_wait3A_78] : memref<10000x128xf32, #tpu.memory_space<hbm>> -> memref<10000x128xf32, #tpu.memory_space<hbm>>
          tpu.wait_indirect_dma semaphore(%run_scoped3A : memref<!tpu.dma_semaphore, #tpu.memory_space<semaphore_mem>>) src(%dma_wait3A_79 : memref<10000x128xf32, #tpu.memory_space<hbm>>) dst(%arg8 : memref<128x128xf32, #tpu.memory_space<vmem>>)
          tpu.yield
        }) : () -> ()
        "tpu.region"() ({
          %run_scoped3A = tpu.sem_alloc : memref<!tpu.dma_semaphore, #tpu.memory_space<semaphore_mem>>
          %dma_start3A = arith.constant 0 : i32
          %dma_start3A_70 = tpu.memref_slice %arg7[%scan3A_69, %dma_start3A] : memref<16x128xi32, #tpu.memory_space<vmem>> -> memref<1x128xi32, #tpu.memory_space<vmem>>
          %dma_start3A_71 = tpu.memref_squeeze %dma_start3A_70 : memref<1x128xi32, #tpu.memory_space<vmem>> -> memref<128xi32, #tpu.memory_space<vmem>>
          %dma_start3A_72 = arith.constant 0 : i32
          %dma_start3A_73 = arith.constant 0 : i32
          %dma_start3A_74 = tpu.memref_slice %arg9[%dma_start3A_72, %dma_start3A_73] : memref<10240x128xf32, #tpu.memory_space<vmem_shared>> -> memref<10240x128xf32, #tpu.memory_space<vmem_shared>>
          tpu.enqueue_indirect_dma source(%arg8 : memref<128x128xf32, #tpu.memory_space<vmem>>) target(%dma_start3A_74 : memref<10240x128xf32, #tpu.memory_space<vmem_shared>>) offsets(%dma_start3A_71 : memref<128xi32, #tpu.memory_space<vmem>>) semaphore(%run_scoped3A : memref<!tpu.dma_semaphore, #tpu.memory_space<semaphore_mem>>) {add = true}
          %dma_wait3A = arith.constant 0 : i32
          %dma_wait3A_75 = tpu.memref_slice %arg7[%scan3A_69, %dma_wait3A] : memref<16x128xi32, #tpu.memory_space<vmem>> -> memref<1x128xi32, #tpu.memory_space<vmem>>
          %dma_wait3A_76 = tpu.memref_squeeze %dma_wait3A_75 : memref<1x128xi32, #tpu.memory_space<vmem>> -> memref<128xi32, #tpu.memory_space<vmem>>
          %dma_wait3A_77 = arith.constant 0 : i32
          %dma_wait3A_78 = arith.constant 0 : i32
          %dma_wait3A_79 = tpu.memref_slice %arg9[%dma_wait3A_77, %dma_wait3A_78] : memref<10240x128xf32, #tpu.memory_space<vmem_shared>> -> memref<10240x128xf32, #tpu.memory_space<vmem_shared>>
          tpu.wait_indirect_dma semaphore(%run_scoped3A : memref<!tpu.dma_semaphore, #tpu.memory_space<semaphore_mem>>) src(%arg8 : memref<128x128xf32, #tpu.memory_space<vmem>>) dst(%dma_wait3A_79 : memref<10240x128xf32, #tpu.memory_space<vmem_shared>>)
          tpu.yield
        }) : () -> ()
      }
      %scan3A_68 = arith.constant 16 : i32
    }
    %barrier3A_38 = arith.constant 0 : index
    tpu.barrier barrier_id(%barrier3A_38)
    %add3A_39 = arith.constant 0 : i32
    %add3A_40 = arith.addi %mul3A_2, %add3A_39 : i32
    %add3A_41 = arith.constant 0 : i32
    %add3A_42 = arith.addi %mul3A_2, %add3A_41 : i32
    "tpu.region"() ({
      %run_scoped3A = tpu.sem_alloc : memref<!tpu.dma_semaphore, #tpu.memory_space<semaphore_mem>>
      %dma_start3A = arith.constant 0 : i32
      %dma_start3A_59 = tpu.memref_slice %arg5[%arg0, %add3A_42, %dma_start3A] : memref<2x10240x128xf32, #tpu.memory_space<hbm>> -> memref<1x128x128xf32, #tpu.memory_space<hbm>>
      %dma_start3A_60 = tpu.memref_squeeze %dma_start3A_59 : memref<1x128x128xf32, #tpu.memory_space<hbm>> -> memref<128x128xf32, #tpu.memory_space<hbm>>
      %dma_start3A_61 = arith.constant 0 : i32
      %dma_start3A_62 = tpu.memref_slice %arg9[%add3A_40, %dma_start3A_61] : memref<10240x128xf32, #tpu.memory_space<vmem_shared>> -> memref<128x128xf32, #tpu.memory_space<vmem_shared>>
      tpu.enqueue_dma source(%dma_start3A_62 : memref<128x128xf32, #tpu.memory_space<vmem_shared>>) target(%dma_start3A_60 : memref<128x128xf32, #tpu.memory_space<hbm>>) target_semaphore(%run_scoped3A : memref<!tpu.dma_semaphore, #tpu.memory_space<semaphore_mem>>)
      %dma_wait3A = arith.constant 0 : i32
      %dma_wait3A_63 = tpu.memref_slice %arg5[%arg0, %add3A_42, %dma_wait3A] : memref<2x10240x128xf32, #tpu.memory_space<hbm>> -> memref<1x128x128xf32, #tpu.memory_space<hbm>>
      %dma_wait3A_64 = tpu.memref_squeeze %dma_wait3A_63 : memref<1x128x128xf32, #tpu.memory_space<hbm>> -> memref<128x128xf32, #tpu.memory_space<hbm>>
      %dma_wait3A_65 = arith.constant 0 : i32
      %dma_wait3A_66 = tpu.memref_slice %arg9[%add3A_40, %dma_wait3A_65] : memref<10240x128xf32, #tpu.memory_space<vmem_shared>> -> memref<128x128xf32, #tpu.memory_space<vmem_shared>>
      tpu.wait_dma2 semaphore(%run_scoped3A : memref<!tpu.dma_semaphore, #tpu.memory_space<semaphore_mem>>) src(%dma_wait3A_66 : memref<128x128xf32, #tpu.memory_space<vmem_shared>>) dst(%dma_wait3A_64 : memref<128x128xf32, #tpu.memory_space<hbm>>)
      tpu.yield
    }) : () -> ()
    %add3A_43 = arith.constant 128 : i32
    %add3A_44 = arith.addi %mul3A_2, %add3A_43 : i32
    %add3A_45 = arith.constant 128 : i32
    %add3A_46 = arith.addi %mul3A_2, %add3A_45 : i32
    "tpu.region"() ({
      %run_scoped3A = tpu.sem_alloc : memref<!tpu.dma_semaphore, #tpu.memory_space<semaphore_mem>>
      %dma_start3A = arith.constant 0 : i32
      %dma_start3A_59 = tpu.memref_slice %arg5[%arg0, %add3A_46, %dma_start3A] : memref<2x10240x128xf32, #tpu.memory_space<hbm>> -> memref<1x128x128xf32, #tpu.memory_space<hbm>>
      %dma_start3A_60 = tpu.memref_squeeze %dma_start3A_59 : memref<1x128x128xf32, #tpu.memory_space<hbm>> -> memref<128x128xf32, #tpu.memory_space<hbm>>
      %dma_start3A_61 = arith.constant 0 : i32
      %dma_start3A_62 = tpu.memref_slice %arg9[%add3A_44, %dma_start3A_61] : memref<10240x128xf32, #tpu.memory_space<vmem_shared>> -> memref<128x128xf32, #tpu.memory_space<vmem_shared>>
      tpu.enqueue_dma source(%dma_start3A_62 : memref<128x128xf32, #tpu.memory_space<vmem_shared>>) target(%dma_start3A_60 : memref<128x128xf32, #tpu.memory_space<hbm>>) target_semaphore(%run_scoped3A : memref<!tpu.dma_semaphore, #tpu.memory_space<semaphore_mem>>)
      %dma_wait3A = arith.constant 0 : i32
      %dma_wait3A_63 = tpu.memref_slice %arg5[%arg0, %add3A_46, %dma_wait3A] : memref<2x10240x128xf32, #tpu.memory_space<hbm>> -> memref<1x128x128xf32, #tpu.memory_space<hbm>>
      %dma_wait3A_64 = tpu.memref_squeeze %dma_wait3A_63 : memref<1x128x128xf32, #tpu.memory_space<hbm>> -> memref<128x128xf32, #tpu.memory_space<hbm>>
      %dma_wait3A_65 = arith.constant 0 : i32
      %dma_wait3A_66 = tpu.memref_slice %arg9[%add3A_44, %dma_wait3A_65] : memref<10240x128xf32, #tpu.memory_space<vmem_shared>> -> memref<128x128xf32, #tpu.memory_space<vmem_shared>>
      tpu.wait_dma2 semaphore(%run_scoped3A : memref<!tpu.dma_semaphore, #tpu.memory_space<semaphore_mem>>) src(%dma_wait3A_66 : memref<128x128xf32, #tpu.memory_space<vmem_shared>>) dst(%dma_wait3A_64 : memref<128x128xf32, #tpu.memory_space<hbm>>)
      tpu.yield
    }) : () -> ()
    %add3A_47 = arith.constant 256 : i32
    %add3A_48 = arith.addi %mul3A_2, %add3A_47 : i32
    %add3A_49 = arith.constant 256 : i32
    %add3A_50 = arith.addi %mul3A_2, %add3A_49 : i32
    "tpu.region"() ({
      %run_scoped3A = tpu.sem_alloc : memref<!tpu.dma_semaphore, #tpu.memory_space<semaphore_mem>>
      %dma_start3A = arith.constant 0 : i32
      %dma_start3A_59 = tpu.memref_slice %arg5[%arg0, %add3A_50, %dma_start3A] : memref<2x10240x128xf32, #tpu.memory_space<hbm>> -> memref<1x128x128xf32, #tpu.memory_space<hbm>>
      %dma_start3A_60 = tpu.memref_squeeze %dma_start3A_59 : memref<1x128x128xf32, #tpu.memory_space<hbm>> -> memref<128x128xf32, #tpu.memory_space<hbm>>
      %dma_start3A_61 = arith.constant 0 : i32
      %dma_start3A_62 = tpu.memref_slice %arg9[%add3A_48, %dma_start3A_61] : memref<10240x128xf32, #tpu.memory_space<vmem_shared>> -> memref<128x128xf32, #tpu.memory_space<vmem_shared>>
      tpu.enqueue_dma source(%dma_start3A_62 : memref<128x128xf32, #tpu.memory_space<vmem_shared>>) target(%dma_start3A_60 : memref<128x128xf32, #tpu.memory_space<hbm>>) target_semaphore(%run_scoped3A : memref<!tpu.dma_semaphore, #tpu.memory_space<semaphore_mem>>)
      %dma_wait3A = arith.constant 0 : i32
      %dma_wait3A_63 = tpu.memref_slice %arg5[%arg0, %add3A_50, %dma_wait3A] : memref<2x10240x128xf32, #tpu.memory_space<hbm>> -> memref<1x128x128xf32, #tpu.memory_space<hbm>>
      %dma_wait3A_64 = tpu.memref_squeeze %dma_wait3A_63 : memref<1x128x128xf32, #tpu.memory_space<hbm>> -> memref<128x128xf32, #tpu.memory_space<hbm>>
      %dma_wait3A_65 = arith.constant 0 : i32
      %dma_wait3A_66 = tpu.memref_slice %arg9[%add3A_48, %dma_wait3A_65] : memref<10240x128xf32, #tpu.memory_space<vmem_shared>> -> memref<128x128xf32, #tpu.memory_space<vmem_shared>>
      tpu.wait_dma2 semaphore(%run_scoped3A : memref<!tpu.dma_semaphore, #tpu.memory_space<semaphore_mem>>) src(%dma_wait3A_66 : memref<128x128xf32, #tpu.memory_space<vmem_shared>>) dst(%dma_wait3A_64 : memref<128x128xf32, #tpu.memory_space<hbm>>)
      tpu.yield
    }) : () -> ()
    %add3A_51 = arith.constant 384 : i32
    %add3A_52 = arith.addi %mul3A_2, %add3A_51 : i32
    %add3A_53 = arith.constant 384 : i32
    %add3A_54 = arith.addi %mul3A_2, %add3A_53 : i32
    "tpu.region"() ({
      %run_scoped3A = tpu.sem_alloc : memref<!tpu.dma_semaphore, #tpu.memory_space<semaphore_mem>>
      %dma_start3A = arith.constant 0 : i32
      %dma_start3A_59 = tpu.memref_slice %arg5[%arg0, %add3A_54, %dma_start3A] : memref<2x10240x128xf32, #tpu.memory_space<hbm>> -> memref<1x128x128xf32, #tpu.memory_space<hbm>>
      %dma_start3A_60 = tpu.memref_squeeze %dma_start3A_59 : memref<1x128x128xf32, #tpu.memory_space<hbm>> -> memref<128x128xf32, #tpu.memory_space<hbm>>
      %dma_start3A_61 = arith.constant 0 : i32
      %dma_start3A_62 = tpu.memref_slice %arg9[%add3A_52, %dma_start3A_61] : memref<10240x128xf32, #tpu.memory_space<vmem_shared>> -> memref<128x128xf32, #tpu.memory_space<vmem_shared>>
      tpu.enqueue_dma source(%dma_start3A_62 : memref<128x128xf32, #tpu.memory_space<vmem_shared>>) target(%dma_start3A_60 : memref<128x128xf32, #tpu.memory_space<hbm>>) target_semaphore(%run_scoped3A : memref<!tpu.dma_semaphore, #tpu.memory_space<semaphore_mem>>)
      %dma_wait3A = arith.constant 0 : i32
      %dma_wait3A_63 = tpu.memref_slice %arg5[%arg0, %add3A_54, %dma_wait3A] : memref<2x10240x128xf32, #tpu.memory_space<hbm>> -> memref<1x128x128xf32, #tpu.memory_space<hbm>>
      %dma_wait3A_64 = tpu.memref_squeeze %dma_wait3A_63 : memref<1x128x128xf32, #tpu.memory_space<hbm>> -> memref<128x128xf32, #tpu.memory_space<hbm>>
      %dma_wait3A_65 = arith.constant 0 : i32
      %dma_wait3A_66 = tpu.memref_slice %arg9[%add3A_52, %dma_wait3A_65] : memref<10240x128xf32, #tpu.memory_space<vmem_shared>> -> memref<128x128xf32, #tpu.memory_space<vmem_shared>>
      tpu.wait_dma2 semaphore(%run_scoped3A : memref<!tpu.dma_semaphore, #tpu.memory_space<semaphore_mem>>) src(%dma_wait3A_66 : memref<128x128xf32, #tpu.memory_space<vmem_shared>>) dst(%dma_wait3A_64 : memref<128x128xf32, #tpu.memory_space<hbm>>)
      tpu.yield
    }) : () -> ()
    %add3A_55 = arith.constant 512 : i32
    %add3A_56 = arith.addi %mul3A_2, %add3A_55 : i32
    %add3A_57 = arith.constant 512 : i32
    %add3A_58 = arith.addi %mul3A_2, %add3A_57 : i32
    "tpu.region"() ({
      %run_scoped3A = tpu.sem_alloc : memref<!tpu.dma_semaphore, #tpu.memory_space<semaphore_mem>>
      %dma_start3A = arith.constant 0 : i32
      %dma_start3A_59 = tpu.memref_slice %arg5[%arg0, %add3A_58, %dma_start3A] : memref<2x10240x128xf32, #tpu.memory_space<hbm>> -> memref<1x128x128xf32, #tpu.memory_space<hbm>>
      %dma_start3A_60 = tpu.memref_squeeze %dma_start3A_59 : memref<1x128x128xf32, #tpu.memory_space<hbm>> -> memref<128x128xf32, #tpu.memory_space<hbm>>
      %dma_start3A_61 = arith.constant 0 : i32
      %dma_start3A_62 = tpu.memref_slice %arg9[%add3A_56, %dma_start3A_61] : memref<10240x128xf32, #tpu.memory_space<vmem_shared>> -> memref<128x128xf32, #tpu.memory_space<vmem_shared>>
      tpu.enqueue_dma source(%dma_start3A_62 : memref<128x128xf32, #tpu.memory_space<vmem_shared>>) target(%dma_start3A_60 : memref<128x128xf32, #tpu.memory_space<hbm>>) target_semaphore(%run_scoped3A : memref<!tpu.dma_semaphore, #tpu.memory_space<semaphore_mem>>)
      %dma_wait3A = arith.constant 0 : i32
      %dma_wait3A_63 = tpu.memref_slice %arg5[%arg0, %add3A_58, %dma_wait3A] : memref<2x10240x128xf32, #tpu.memory_space<hbm>> -> memref<1x128x128xf32, #tpu.memory_space<hbm>>
      %dma_wait3A_64 = tpu.memref_squeeze %dma_wait3A_63 : memref<1x128x128xf32, #tpu.memory_space<hbm>> -> memref<128x128xf32, #tpu.memory_space<hbm>>
      %dma_wait3A_65 = arith.constant 0 : i32
      %dma_wait3A_66 = tpu.memref_slice %arg9[%add3A_56, %dma_wait3A_65] : memref<10240x128xf32, #tpu.memory_space<vmem_shared>> -> memref<128x128xf32, #tpu.memory_space<vmem_shared>>
      tpu.wait_dma2 semaphore(%run_scoped3A : memref<!tpu.dma_semaphore, #tpu.memory_space<semaphore_mem>>) src(%dma_wait3A_66 : memref<128x128xf32, #tpu.memory_space<vmem_shared>>) dst(%dma_wait3A_64 : memref<128x128xf32, #tpu.memory_space<hbm>>)
      tpu.yield
    }) : () -> ()
    return
  }
}

#map = affine_map<(d0, d1) -> (0, 0)>
#map1 = affine_map<(d0, d1) -> (0, 0, 0)>
module attributes {stable_mosaic.version = 14 : i64} {
  func.func @_edge_kernel(%arg0: i32, %arg1: i32, %arg2: memref<2560x128xi32, #tpu.memory_space<hbm>>, %arg3: memref<2560x128xi32, #tpu.memory_space<hbm>>, %arg4: memref<10000x128xf32, #tpu.memory_space<hbm>>, %arg5: memref<2x10240x128xf32, #tpu.memory_space<hbm>>, %arg6: memref<16x128xi32, #tpu.memory_space<vmem>>, %arg7: memref<16x128xi32, #tpu.memory_space<vmem>>, %arg8: memref<128x128xf32, #tpu.memory_space<vmem>>, %arg9: memref<10240x128xf32, #tpu.memory_space<vmem_shared>>) attributes {dimension_semantics = [#tpu.dimension_semantics<core_parallel>, #tpu.dimension_semantics<subcore_parallel>], iteration_bounds = array<i64: 2, 16>, scalar_prefetch = 0 : i64, scratch_operands = 4 : i64, tpu.core_type = #tpu.core_type<sc_vector_subcore>, window_params = [{transform_indices = #map}, {transform_indices = #map}, {transform_indices = #map}, {transform_indices = #map1}]} {
    %mul3A = arith.constant 16 : i32
    %mul3A_0 = arith.muli %arg0, %mul3A : i32
    %add3A = arith.addi %mul3A_0, %arg1 : i32
    %mul3A_1 = arith.constant 640 : i32
    %mul3A_2 = arith.muli %arg1, %mul3A_1 : i32
    %scan3A = arith.constant 0 : i32
    %scan3A_3 = arith.constant 0 : i32
    %scan3A_4 = arith.constant 128 : i32
    %scan3A_5 = arith.addi %scan3A_3, %scan3A_4 : i32
    %scan3A_6 = arith.constant 1 : i32
    scf.for %scan3A_59 = %scan3A_3 to %scan3A_5 step %scan3A_6  : i32 {
      %scan3A_60 = arith.constant 0 : i32
      %scan3A_61 = arith.constant 8 : i32
      %scan3A_62 = arith.addi %scan3A_60, %scan3A_61 : i32
      %scan3A_63 = arith.constant 1 : i32
      scf.for %scan3A_65 = %scan3A_60 to %scan3A_62 step %scan3A_63  : i32 {
        %broadcast_in_dim3A = arith.constant 0.000000e+00 : f32
        %broadcast_in_dim3A_66 = vector.broadcast %broadcast_in_dim3A : f32 to vector<16xf32>
        %mul3A_67 = arith.constant 16 : i32
        %mul3A_68 = arith.muli %scan3A_65, %mul3A_67 : i32
        %swap3A = arith.index_cast %scan3A_59 : i32 to index
        %swap3A_69 = arith.index_cast %mul3A_68 : i32 to index
        %swap3A_70 = tpu.vector_load %arg8[%swap3A, %swap3A_69] {strides = array<i32>} : memref<128x128xf32, #tpu.memory_space<vmem>>, vector<1x16xf32>,
        %swap3A_71 = vector.shape_cast %swap3A_70 : vector<1x16xf32> to vector<16xf32>
        %swap3A_72 = vector.shape_cast %broadcast_in_dim3A_66 : vector<16xf32> to vector<1x16xf32>
        tpu.vector_store %arg8[%swap3A, %swap3A_69], %swap3A_72 {strides = array<i32>} : memref<128x128xf32, #tpu.memory_space<vmem>>, vector<1x16xf32>,
      }
      %scan3A_64 = arith.constant 8 : i32
    }
    %scan3A_7 = arith.constant 128 : i32
    %add3A_8 = arith.constant 0 : i32
    %add3A_9 = arith.addi %mul3A_2, %add3A_8 : i32
    "tpu.region"() ({
      %run_scoped3A = tpu.sem_alloc : memref<!tpu.dma_semaphore, #tpu.memory_space<semaphore_mem>>
      %dma_start3A = arith.constant 0 : i32
      %dma_start3A_59 = tpu.memref_slice %arg9[%add3A_9, %dma_start3A] : memref<10240x128xf32, #tpu.memory_space<vmem_shared>> -> memref<128x128xf32, #tpu.memory_space<vmem_shared>>
      %dma_start3A_60 = arith.constant 0 : i32
      %dma_start3A_61 = tpu.memref_slice %arg9[%add3A_9, %dma_start3A_60] : memref<10240x128xf32, #tpu.memory_space<vmem_shared>> -> memref<128x128xf32, #tpu.memory_space<vmem_shared>>
      tpu.enqueue_dma source(%arg8 : memref<128x128xf32, #tpu.memory_space<vmem>>) target(%dma_start3A_61 : memref<128x128xf32, #tpu.memory_space<vmem_shared>>) target_semaphore(%run_scoped3A : memref<!tpu.dma_semaphore, #tpu.memory_space<semaphore_mem>>)
      %dma_wait3A = arith.constant 0 : i32
      %dma_wait3A_62 = tpu.memref_slice %arg9[%add3A_9, %dma_wait3A] : memref<10240x128xf32, #tpu.memory_space<vmem_shared>> -> memref<128x128xf32, #tpu.memory_space<vmem_shared>>
      %dma_wait3A_63 = arith.constant 0 : i32
      %dma_wait3A_64 = tpu.memref_slice %arg9[%add3A_9, %dma_wait3A_63] : memref<10240x128xf32, #tpu.memory_space<vmem_shared>> -> memref<128x128xf32, #tpu.memory_space<vmem_shared>>
      tpu.wait_dma2 semaphore(%run_scoped3A : memref<!tpu.dma_semaphore, #tpu.memory_space<semaphore_mem>>) src(%arg8 : memref<128x128xf32, #tpu.memory_space<vmem>>) dst(%dma_wait3A_64 : memref<128x128xf32, #tpu.memory_space<vmem_shared>>)
      tpu.yield
    }) : () -> ()
    %add3A_10 = arith.constant 128 : i32
    %add3A_11 = arith.addi %mul3A_2, %add3A_10 : i32
    "tpu.region"() ({
      %run_scoped3A = tpu.sem_alloc : memref<!tpu.dma_semaphore, #tpu.memory_space<semaphore_mem>>
      %dma_start3A = arith.constant 0 : i32
      %dma_start3A_59 = tpu.memref_slice %arg9[%add3A_11, %dma_start3A] : memref<10240x128xf32, #tpu.memory_space<vmem_shared>> -> memref<128x128xf32, #tpu.memory_space<vmem_shared>>
      %dma_start3A_60 = arith.constant 0 : i32
      %dma_start3A_61 = tpu.memref_slice %arg9[%add3A_11, %dma_start3A_60] : memref<10240x128xf32, #tpu.memory_space<vmem_shared>> -> memref<128x128xf32, #tpu.memory_space<vmem_shared>>
      tpu.enqueue_dma source(%arg8 : memref<128x128xf32, #tpu.memory_space<vmem>>) target(%dma_start3A_61 : memref<128x128xf32, #tpu.memory_space<vmem_shared>>) target_semaphore(%run_scoped3A : memref<!tpu.dma_semaphore, #tpu.memory_space<semaphore_mem>>)
      %dma_wait3A = arith.constant 0 : i32
      %dma_wait3A_62 = tpu.memref_slice %arg9[%add3A_11, %dma_wait3A] : memref<10240x128xf32, #tpu.memory_space<vmem_shared>> -> memref<128x128xf32, #tpu.memory_space<vmem_shared>>
      %dma_wait3A_63 = arith.constant 0 : i32
      %dma_wait3A_64 = tpu.memref_slice %arg9[%add3A_11, %dma_wait3A_63] : memref<10240x128xf32, #tpu.memory_space<vmem_shared>> -> memref<128x128xf32, #tpu.memory_space<vmem_shared>>
      tpu.wait_dma2 semaphore(%run_scoped3A : memref<!tpu.dma_semaphore, #tpu.memory_space<semaphore_mem>>) src(%arg8 : memref<128x128xf32, #tpu.memory_space<vmem>>) dst(%dma_wait3A_64 : memref<128x128xf32, #tpu.memory_space<vmem_shared>>)
      tpu.yield
    }) : () -> ()
    %add3A_12 = arith.constant 256 : i32
    %add3A_13 = arith.addi %mul3A_2, %add3A_12 : i32
    "tpu.region"() ({
      %run_scoped3A = tpu.sem_alloc : memref<!tpu.dma_semaphore, #tpu.memory_space<semaphore_mem>>
      %dma_start3A = arith.constant 0 : i32
      %dma_start3A_59 = tpu.memref_slice %arg9[%add3A_13, %dma_start3A] : memref<10240x128xf32, #tpu.memory_space<vmem_shared>> -> memref<128x128xf32, #tpu.memory_space<vmem_shared>>
      %dma_start3A_60 = arith.constant 0 : i32
      %dma_start3A_61 = tpu.memref_slice %arg9[%add3A_13, %dma_start3A_60] : memref<10240x128xf32, #tpu.memory_space<vmem_shared>> -> memref<128x128xf32, #tpu.memory_space<vmem_shared>>
      tpu.enqueue_dma source(%arg8 : memref<128x128xf32, #tpu.memory_space<vmem>>) target(%dma_start3A_61 : memref<128x128xf32, #tpu.memory_space<vmem_shared>>) target_semaphore(%run_scoped3A : memref<!tpu.dma_semaphore, #tpu.memory_space<semaphore_mem>>)
      %dma_wait3A = arith.constant 0 : i32
      %dma_wait3A_62 = tpu.memref_slice %arg9[%add3A_13, %dma_wait3A] : memref<10240x128xf32, #tpu.memory_space<vmem_shared>> -> memref<128x128xf32, #tpu.memory_space<vmem_shared>>
      %dma_wait3A_63 = arith.constant 0 : i32
      %dma_wait3A_64 = tpu.memref_slice %arg9[%add3A_13, %dma_wait3A_63] : memref<10240x128xf32, #tpu.memory_space<vmem_shared>> -> memref<128x128xf32, #tpu.memory_space<vmem_shared>>
      tpu.wait_dma2 semaphore(%run_scoped3A : memref<!tpu.dma_semaphore, #tpu.memory_space<semaphore_mem>>) src(%arg8 : memref<128x128xf32, #tpu.memory_space<vmem>>) dst(%dma_wait3A_64 : memref<128x128xf32, #tpu.memory_space<vmem_shared>>)
      tpu.yield
    }) : () -> ()
    %add3A_14 = arith.constant 384 : i32
    %add3A_15 = arith.addi %mul3A_2, %add3A_14 : i32
    "tpu.region"() ({
      %run_scoped3A = tpu.sem_alloc : memref<!tpu.dma_semaphore, #tpu.memory_space<semaphore_mem>>
      %dma_start3A = arith.constant 0 : i32
      %dma_start3A_59 = tpu.memref_slice %arg9[%add3A_15, %dma_start3A] : memref<10240x128xf32, #tpu.memory_space<vmem_shared>> -> memref<128x128xf32, #tpu.memory_space<vmem_shared>>
      %dma_start3A_60 = arith.constant 0 : i32
      %dma_start3A_61 = tpu.memref_slice %arg9[%add3A_15, %dma_start3A_60] : memref<10240x128xf32, #tpu.memory_space<vmem_shared>> -> memref<128x128xf32, #tpu.memory_space<vmem_shared>>
      tpu.enqueue_dma source(%arg8 : memref<128x128xf32, #tpu.memory_space<vmem>>) target(%dma_start3A_61 : memref<128x128xf32, #tpu.memory_space<vmem_shared>>) target_semaphore(%run_scoped3A : memref<!tpu.dma_semaphore, #tpu.memory_space<semaphore_mem>>)
      %dma_wait3A = arith.constant 0 : i32
      %dma_wait3A_62 = tpu.memref_slice %arg9[%add3A_15, %dma_wait3A] : memref<10240x128xf32, #tpu.memory_space<vmem_shared>> -> memref<128x128xf32, #tpu.memory_space<vmem_shared>>
      %dma_wait3A_63 = arith.constant 0 : i32
      %dma_wait3A_64 = tpu.memref_slice %arg9[%add3A_15, %dma_wait3A_63] : memref<10240x128xf32, #tpu.memory_space<vmem_shared>> -> memref<128x128xf32, #tpu.memory_space<vmem_shared>>
      tpu.wait_dma2 semaphore(%run_scoped3A : memref<!tpu.dma_semaphore, #tpu.memory_space<semaphore_mem>>) src(%arg8 : memref<128x128xf32, #tpu.memory_space<vmem>>) dst(%dma_wait3A_64 : memref<128x128xf32, #tpu.memory_space<vmem_shared>>)
      tpu.yield
    }) : () -> ()
    %add3A_16 = arith.constant 512 : i32
    %add3A_17 = arith.addi %mul3A_2, %add3A_16 : i32
    "tpu.region"() ({
      %run_scoped3A = tpu.sem_alloc : memref<!tpu.dma_semaphore, #tpu.memory_space<semaphore_mem>>
      %dma_start3A = arith.constant 0 : i32
      %dma_start3A_59 = tpu.memref_slice %arg9[%add3A_17, %dma_start3A] : memref<10240x128xf32, #tpu.memory_space<vmem_shared>> -> memref<128x128xf32, #tpu.memory_space<vmem_shared>>
      %dma_start3A_60 = arith.constant 0 : i32
      %dma_start3A_61 = tpu.memref_slice %arg9[%add3A_17, %dma_start3A_60] : memref<10240x128xf32, #tpu.memory_space<vmem_shared>> -> memref<128x128xf32, #tpu.memory_space<vmem_shared>>
      tpu.enqueue_dma source(%arg8 : memref<128x128xf32, #tpu.memory_space<vmem>>) target(%dma_start3A_61 : memref<128x128xf32, #tpu.memory_space<vmem_shared>>) target_semaphore(%run_scoped3A : memref<!tpu.dma_semaphore, #tpu.memory_space<semaphore_mem>>)
      %dma_wait3A = arith.constant 0 : i32
      %dma_wait3A_62 = tpu.memref_slice %arg9[%add3A_17, %dma_wait3A] : memref<10240x128xf32, #tpu.memory_space<vmem_shared>> -> memref<128x128xf32, #tpu.memory_space<vmem_shared>>
      %dma_wait3A_63 = arith.constant 0 : i32
      %dma_wait3A_64 = tpu.memref_slice %arg9[%add3A_17, %dma_wait3A_63] : memref<10240x128xf32, #tpu.memory_space<vmem_shared>> -> memref<128x128xf32, #tpu.memory_space<vmem_shared>>
      tpu.wait_dma2 semaphore(%run_scoped3A : memref<!tpu.dma_semaphore, #tpu.memory_space<semaphore_mem>>) src(%arg8 : memref<128x128xf32, #tpu.memory_space<vmem>>) dst(%dma_wait3A_64 : memref<128x128xf32, #tpu.memory_space<vmem_shared>>)
      tpu.yield
    }) : () -> ()
    %barrier3A = arith.constant 0 : index
    tpu.barrier barrier_id(%barrier3A)
    %eq3A = arith.constant 0 : i32
    %eq3A_18 = arith.cmpi eq, %arg0, %eq3A : i32
    %mul3A_19 = arith.constant 144 : i32
    %mul3A_20 = arith.muli %arg1, %mul3A_19 : i32
    %mul3A_21 = arith.constant 16 : i32
    %mul3A_22 = arith.muli %arg1, %mul3A_21 : i32
    %add3A_23 = arith.constant 2304 : i32
    %add3A_24 = arith.addi %add3A_23, %mul3A_22 : i32
    %select_n3A = arith.select %eq3A_18, %mul3A_20, %add3A_24 : i32
    %eq3A_25 = arith.constant 0 : i32
    %eq3A_26 = arith.cmpi eq, %arg0, %eq3A_25 : i32
    %jit3A = arith.constant 9 : i32
    %jit3A_27 = arith.constant 1 : i32
    %select_n3A_28 = arith.select %eq3A_26, %jit3A, %jit3A_27 : i32
    %while3A = arith.constant 0 : i32
    %while3A_29 = arith.constant 0 : i32
    %while3A_30 = arith.subi %select_n3A_28, %while3A_29 : i32
    %while3A_31 = arith.addi %while3A_29, %while3A_30 : i32
    %while3A_32 = arith.constant 1 : i32
    %while3A_33 = arith.divsi %while3A_30, %while3A_32 : i32
    %while3A_34 = arith.muli %while3A_33, %while3A_32 : i32
    %while3A_35 = arith.addi %while3A_29, %while3A_34 : i32
    %while3A_36 = arith.constant 1 : i32
    scf.for %while3A_59 = %while3A_29 to %while3A_35 step %while3A_36  : i32 {
      %mul3A_60 = arith.constant 16 : i32
      %mul3A_61 = arith.muli %while3A_59, %mul3A_60 : i32
      %add3A_62 = arith.addi %select_n3A, %mul3A_61 : i32
      "tpu.region"() ({
        %run_scoped3A = tpu.sem_alloc : memref<!tpu.dma_semaphore, #tpu.memory_space<semaphore_mem>>
        %dma_start3A = arith.constant 0 : i32
        %dma_start3A_69 = tpu.memref_slice %arg2[%add3A_62, %dma_start3A] : memref<2560x128xi32, #tpu.memory_space<hbm>> -> memref<16x128xi32, #tpu.memory_space<hbm>>
        %dma_start3A_70 = arith.constant 0 : i32
        %dma_start3A_71 = tpu.memref_slice %arg2[%add3A_62, %dma_start3A_70] : memref<2560x128xi32, #tpu.memory_space<hbm>> -> memref<16x128xi32, #tpu.memory_space<hbm>>
        tpu.enqueue_dma source(%dma_start3A_71 : memref<16x128xi32, #tpu.memory_space<hbm>>) target(%arg6 : memref<16x128xi32, #tpu.memory_space<vmem>>) target_semaphore(%run_scoped3A : memref<!tpu.dma_semaphore, #tpu.memory_space<semaphore_mem>>)
        %dma_wait3A = arith.constant 0 : i32
        %dma_wait3A_72 = tpu.memref_slice %arg2[%add3A_62, %dma_wait3A] : memref<2560x128xi32, #tpu.memory_space<hbm>> -> memref<16x128xi32, #tpu.memory_space<hbm>>
        %dma_wait3A_73 = arith.constant 0 : i32
        %dma_wait3A_74 = tpu.memref_slice %arg2[%add3A_62, %dma_wait3A_73] : memref<2560x128xi32, #tpu.memory_space<hbm>> -> memref<16x128xi32, #tpu.memory_space<hbm>>
        tpu.wait_dma2 semaphore(%run_scoped3A : memref<!tpu.dma_semaphore, #tpu.memory_space<semaphore_mem>>) src(%dma_wait3A_74 : memref<16x128xi32, #tpu.memory_space<hbm>>) dst(%arg6 : memref<16x128xi32, #tpu.memory_space<vmem>>)
        tpu.yield
      }) : () -> ()
      "tpu.region"() ({
        %run_scoped3A = tpu.sem_alloc : memref<!tpu.dma_semaphore, #tpu.memory_space<semaphore_mem>>
        %dma_start3A = arith.constant 0 : i32
        %dma_start3A_69 = tpu.memref_slice %arg3[%add3A_62, %dma_start3A] : memref<2560x128xi32, #tpu.memory_space<hbm>> -> memref<16x128xi32, #tpu.memory_space<hbm>>
        %dma_start3A_70 = arith.constant 0 : i32
        %dma_start3A_71 = tpu.memref_slice %arg3[%add3A_62, %dma_start3A_70] : memref<2560x128xi32, #tpu.memory_space<hbm>> -> memref<16x128xi32, #tpu.memory_space<hbm>>
        tpu.enqueue_dma source(%dma_start3A_71 : memref<16x128xi32, #tpu.memory_space<hbm>>) target(%arg7 : memref<16x128xi32, #tpu.memory_space<vmem>>) target_semaphore(%run_scoped3A : memref<!tpu.dma_semaphore, #tpu.memory_space<semaphore_mem>>)
        %dma_wait3A = arith.constant 0 : i32
        %dma_wait3A_72 = tpu.memref_slice %arg3[%add3A_62, %dma_wait3A] : memref<2560x128xi32, #tpu.memory_space<hbm>> -> memref<16x128xi32, #tpu.memory_space<hbm>>
        %dma_wait3A_73 = arith.constant 0 : i32
        %dma_wait3A_74 = tpu.memref_slice %arg3[%add3A_62, %dma_wait3A_73] : memref<2560x128xi32, #tpu.memory_space<hbm>> -> memref<16x128xi32, #tpu.memory_space<hbm>>
        tpu.wait_dma2 semaphore(%run_scoped3A : memref<!tpu.dma_semaphore, #tpu.memory_space<semaphore_mem>>) src(%dma_wait3A_74 : memref<16x128xi32, #tpu.memory_space<hbm>>) dst(%arg7 : memref<16x128xi32, #tpu.memory_space<vmem>>)
        tpu.yield
      }) : () -> ()
      %scan3A_63 = arith.constant 0 : i32
      %scan3A_64 = arith.constant 0 : i32
      %scan3A_65 = arith.constant 16 : i32
      %scan3A_66 = arith.addi %scan3A_64, %scan3A_65 : i32
      %scan3A_67 = arith.constant 1 : i32
      scf.for %scan3A_69 = %scan3A_64 to %scan3A_66 step %scan3A_67  : i32 {
        "tpu.region"() ({
          %run_scoped3A = tpu.sem_alloc : memref<!tpu.dma_semaphore, #tpu.memory_space<semaphore_mem>>
          %dma_start3A = arith.constant 0 : i32
          %dma_start3A_70 = tpu.memref_slice %arg6[%scan3A_69, %dma_start3A] : memref<16x128xi32, #tpu.memory_space<vmem>> -> memref<1x128xi32, #tpu.memory_space<vmem>>
          %dma_start3A_71 = tpu.memref_squeeze %dma_start3A_70 : memref<1x128xi32, #tpu.memory_space<vmem>> -> memref<128xi32, #tpu.memory_space<vmem>>
          %dma_start3A_72 = arith.constant 0 : i32
          %dma_start3A_73 = arith.constant 0 : i32
          %dma_start3A_74 = tpu.memref_slice %arg4[%dma_start3A_72, %dma_start3A_73] : memref<10000x128xf32, #tpu.memory_space<hbm>> -> memref<10000x128xf32, #tpu.memory_space<hbm>>
          tpu.enqueue_indirect_dma source(%dma_start3A_74 : memref<10000x128xf32, #tpu.memory_space<hbm>>) target(%arg8 : memref<128x128xf32, #tpu.memory_space<vmem>>) offsets(%dma_start3A_71 : memref<128xi32, #tpu.memory_space<vmem>>) semaphore(%run_scoped3A : memref<!tpu.dma_semaphore, #tpu.memory_space<semaphore_mem>>)
          %dma_wait3A = arith.constant 0 : i32
          %dma_wait3A_75 = tpu.memref_slice %arg6[%scan3A_69, %dma_wait3A] : memref<16x128xi32, #tpu.memory_space<vmem>> -> memref<1x128xi32, #tpu.memory_space<vmem>>
          %dma_wait3A_76 = tpu.memref_squeeze %dma_wait3A_75 : memref<1x128xi32, #tpu.memory_space<vmem>> -> memref<128xi32, #tpu.memory_space<vmem>>
          %dma_wait3A_77 = arith.constant 0 : i32
          %dma_wait3A_78 = arith.constant 0 : i32
          %dma_wait3A_79 = tpu.memref_slice %arg4[%dma_wait3A_77, %dma_wait3A_78] : memref<10000x128xf32, #tpu.memory_space<hbm>> -> memref<10000x128xf32, #tpu.memory_space<hbm>>
          tpu.wait_indirect_dma semaphore(%run_scoped3A : memref<!tpu.dma_semaphore, #tpu.memory_space<semaphore_mem>>) src(%dma_wait3A_79 : memref<10000x128xf32, #tpu.memory_space<hbm>>) dst(%arg8 : memref<128x128xf32, #tpu.memory_space<vmem>>)
          tpu.yield
        }) : () -> ()
        "tpu.region"() ({
          %run_scoped3A = tpu.sem_alloc : memref<!tpu.dma_semaphore, #tpu.memory_space<semaphore_mem>>
          %dma_start3A = arith.constant 0 : i32
          %dma_start3A_70 = tpu.memref_slice %arg7[%scan3A_69, %dma_start3A] : memref<16x128xi32, #tpu.memory_space<vmem>> -> memref<1x128xi32, #tpu.memory_space<vmem>>
          %dma_start3A_71 = tpu.memref_squeeze %dma_start3A_70 : memref<1x128xi32, #tpu.memory_space<vmem>> -> memref<128xi32, #tpu.memory_space<vmem>>
          %dma_start3A_72 = arith.constant 0 : i32
          %dma_start3A_73 = arith.constant 0 : i32
          %dma_start3A_74 = tpu.memref_slice %arg9[%dma_start3A_72, %dma_start3A_73] : memref<10240x128xf32, #tpu.memory_space<vmem_shared>> -> memref<10240x128xf32, #tpu.memory_space<vmem_shared>>
          tpu.enqueue_indirect_dma source(%arg8 : memref<128x128xf32, #tpu.memory_space<vmem>>) target(%dma_start3A_74 : memref<10240x128xf32, #tpu.memory_space<vmem_shared>>) offsets(%dma_start3A_71 : memref<128xi32, #tpu.memory_space<vmem>>) semaphore(%run_scoped3A : memref<!tpu.dma_semaphore, #tpu.memory_space<semaphore_mem>>) {add = true}
          %dma_wait3A = arith.constant 0 : i32
          %dma_wait3A_75 = tpu.memref_slice %arg7[%scan3A_69, %dma_wait3A] : memref<16x128xi32, #tpu.memory_space<vmem>> -> memref<1x128xi32, #tpu.memory_space<vmem>>
          %dma_wait3A_76 = tpu.memref_squeeze %dma_wait3A_75 : memref<1x128xi32, #tpu.memory_space<vmem>> -> memref<128xi32, #tpu.memory_space<vmem>>
          %dma_wait3A_77 = arith.constant 0 : i32
          %dma_wait3A_78 = arith.constant 0 : i32
          %dma_wait3A_79 = tpu.memref_slice %arg9[%dma_wait3A_77, %dma_wait3A_78] : memref<10240x128xf32, #tpu.memory_space<vmem_shared>> -> memref<10240x128xf32, #tpu.memory_space<vmem_shared>>
          tpu.wait_indirect_dma semaphore(%run_scoped3A : memref<!tpu.dma_semaphore, #tpu.memory_space<semaphore_mem>>) src(%arg8 : memref<128x128xf32, #tpu.memory_space<vmem>>) dst(%dma_wait3A_79 : memref<10240x128xf32, #tpu.memory_space<vmem_shared>>)
          tpu.yield
        }) : () -> ()
      }
      %scan3A_68 = arith.constant 16 : i32
    }
    %while3A_37 = arith.constant 1 : i32
    scf.for %while3A_59 = %while3A_35 to %while3A_31 step %while3A_37  : i32 {
      %mul3A_60 = arith.constant 16 : i32
      %mul3A_61 = arith.muli %while3A_59, %mul3A_60 : i32
      %add3A_62 = arith.addi %select_n3A, %mul3A_61 : i32
      "tpu.region"() ({
        %run_scoped3A = tpu.sem_alloc : memref<!tpu.dma_semaphore, #tpu.memory_space<semaphore_mem>>
        %dma_start3A = arith.constant 0 : i32
        %dma_start3A_69 = tpu.memref_slice %arg2[%add3A_62, %dma_start3A] : memref<2560x128xi32, #tpu.memory_space<hbm>> -> memref<16x128xi32, #tpu.memory_space<hbm>>
        %dma_start3A_70 = arith.constant 0 : i32
        %dma_start3A_71 = tpu.memref_slice %arg2[%add3A_62, %dma_start3A_70] : memref<2560x128xi32, #tpu.memory_space<hbm>> -> memref<16x128xi32, #tpu.memory_space<hbm>>
        tpu.enqueue_dma source(%dma_start3A_71 : memref<16x128xi32, #tpu.memory_space<hbm>>) target(%arg6 : memref<16x128xi32, #tpu.memory_space<vmem>>) target_semaphore(%run_scoped3A : memref<!tpu.dma_semaphore, #tpu.memory_space<semaphore_mem>>)
        %dma_wait3A = arith.constant 0 : i32
        %dma_wait3A_72 = tpu.memref_slice %arg2[%add3A_62, %dma_wait3A] : memref<2560x128xi32, #tpu.memory_space<hbm>> -> memref<16x128xi32, #tpu.memory_space<hbm>>
        %dma_wait3A_73 = arith.constant 0 : i32
        %dma_wait3A_74 = tpu.memref_slice %arg2[%add3A_62, %dma_wait3A_73] : memref<2560x128xi32, #tpu.memory_space<hbm>> -> memref<16x128xi32, #tpu.memory_space<hbm>>
        tpu.wait_dma2 semaphore(%run_scoped3A : memref<!tpu.dma_semaphore, #tpu.memory_space<semaphore_mem>>) src(%dma_wait3A_74 : memref<16x128xi32, #tpu.memory_space<hbm>>) dst(%arg6 : memref<16x128xi32, #tpu.memory_space<vmem>>)
        tpu.yield
      }) : () -> ()
      "tpu.region"() ({
        %run_scoped3A = tpu.sem_alloc : memref<!tpu.dma_semaphore, #tpu.memory_space<semaphore_mem>>
        %dma_start3A = arith.constant 0 : i32
        %dma_start3A_69 = tpu.memref_slice %arg3[%add3A_62, %dma_start3A] : memref<2560x128xi32, #tpu.memory_space<hbm>> -> memref<16x128xi32, #tpu.memory_space<hbm>>
        %dma_start3A_70 = arith.constant 0 : i32
        %dma_start3A_71 = tpu.memref_slice %arg3[%add3A_62, %dma_start3A_70] : memref<2560x128xi32, #tpu.memory_space<hbm>> -> memref<16x128xi32, #tpu.memory_space<hbm>>
        tpu.enqueue_dma source(%dma_start3A_71 : memref<16x128xi32, #tpu.memory_space<hbm>>) target(%arg7 : memref<16x128xi32, #tpu.memory_space<vmem>>) target_semaphore(%run_scoped3A : memref<!tpu.dma_semaphore, #tpu.memory_space<semaphore_mem>>)
        %dma_wait3A = arith.constant 0 : i32
        %dma_wait3A_72 = tpu.memref_slice %arg3[%add3A_62, %dma_wait3A] : memref<2560x128xi32, #tpu.memory_space<hbm>> -> memref<16x128xi32, #tpu.memory_space<hbm>>
        %dma_wait3A_73 = arith.constant 0 : i32
        %dma_wait3A_74 = tpu.memref_slice %arg3[%add3A_62, %dma_wait3A_73] : memref<2560x128xi32, #tpu.memory_space<hbm>> -> memref<16x128xi32, #tpu.memory_space<hbm>>
        tpu.wait_dma2 semaphore(%run_scoped3A : memref<!tpu.dma_semaphore, #tpu.memory_space<semaphore_mem>>) src(%dma_wait3A_74 : memref<16x128xi32, #tpu.memory_space<hbm>>) dst(%arg7 : memref<16x128xi32, #tpu.memory_space<vmem>>)
        tpu.yield
      }) : () -> ()
      %scan3A_63 = arith.constant 0 : i32
      %scan3A_64 = arith.constant 0 : i32
      %scan3A_65 = arith.constant 16 : i32
      %scan3A_66 = arith.addi %scan3A_64, %scan3A_65 : i32
      %scan3A_67 = arith.constant 1 : i32
      scf.for %scan3A_69 = %scan3A_64 to %scan3A_66 step %scan3A_67  : i32 {
        "tpu.region"() ({
          %run_scoped3A = tpu.sem_alloc : memref<!tpu.dma_semaphore, #tpu.memory_space<semaphore_mem>>
          %dma_start3A = arith.constant 0 : i32
          %dma_start3A_70 = tpu.memref_slice %arg6[%scan3A_69, %dma_start3A] : memref<16x128xi32, #tpu.memory_space<vmem>> -> memref<1x128xi32, #tpu.memory_space<vmem>>
          %dma_start3A_71 = tpu.memref_squeeze %dma_start3A_70 : memref<1x128xi32, #tpu.memory_space<vmem>> -> memref<128xi32, #tpu.memory_space<vmem>>
          %dma_start3A_72 = arith.constant 0 : i32
          %dma_start3A_73 = arith.constant 0 : i32
          %dma_start3A_74 = tpu.memref_slice %arg4[%dma_start3A_72, %dma_start3A_73] : memref<10000x128xf32, #tpu.memory_space<hbm>> -> memref<10000x128xf32, #tpu.memory_space<hbm>>
          tpu.enqueue_indirect_dma source(%dma_start3A_74 : memref<10000x128xf32, #tpu.memory_space<hbm>>) target(%arg8 : memref<128x128xf32, #tpu.memory_space<vmem>>) offsets(%dma_start3A_71 : memref<128xi32, #tpu.memory_space<vmem>>) semaphore(%run_scoped3A : memref<!tpu.dma_semaphore, #tpu.memory_space<semaphore_mem>>)
          %dma_wait3A = arith.constant 0 : i32
          %dma_wait3A_75 = tpu.memref_slice %arg6[%scan3A_69, %dma_wait3A] : memref<16x128xi32, #tpu.memory_space<vmem>> -> memref<1x128xi32, #tpu.memory_space<vmem>>
          %dma_wait3A_76 = tpu.memref_squeeze %dma_wait3A_75 : memref<1x128xi32, #tpu.memory_space<vmem>> -> memref<128xi32, #tpu.memory_space<vmem>>
          %dma_wait3A_77 = arith.constant 0 : i32
          %dma_wait3A_78 = arith.constant 0 : i32
          %dma_wait3A_79 = tpu.memref_slice %arg4[%dma_wait3A_77, %dma_wait3A_78] : memref<10000x128xf32, #tpu.memory_space<hbm>> -> memref<10000x128xf32, #tpu.memory_space<hbm>>
          tpu.wait_indirect_dma semaphore(%run_scoped3A : memref<!tpu.dma_semaphore, #tpu.memory_space<semaphore_mem>>) src(%dma_wait3A_79 : memref<10000x128xf32, #tpu.memory_space<hbm>>) dst(%arg8 : memref<128x128xf32, #tpu.memory_space<vmem>>)
          tpu.yield
        }) : () -> ()
        "tpu.region"() ({
          %run_scoped3A = tpu.sem_alloc : memref<!tpu.dma_semaphore, #tpu.memory_space<semaphore_mem>>
          %dma_start3A = arith.constant 0 : i32
          %dma_start3A_70 = tpu.memref_slice %arg7[%scan3A_69, %dma_start3A] : memref<16x128xi32, #tpu.memory_space<vmem>> -> memref<1x128xi32, #tpu.memory_space<vmem>>
          %dma_start3A_71 = tpu.memref_squeeze %dma_start3A_70 : memref<1x128xi32, #tpu.memory_space<vmem>> -> memref<128xi32, #tpu.memory_space<vmem>>
          %dma_start3A_72 = arith.constant 0 : i32
          %dma_start3A_73 = arith.constant 0 : i32
          %dma_start3A_74 = tpu.memref_slice %arg9[%dma_start3A_72, %dma_start3A_73] : memref<10240x128xf32, #tpu.memory_space<vmem_shared>> -> memref<10240x128xf32, #tpu.memory_space<vmem_shared>>
          tpu.enqueue_indirect_dma source(%arg8 : memref<128x128xf32, #tpu.memory_space<vmem>>) target(%dma_start3A_74 : memref<10240x128xf32, #tpu.memory_space<vmem_shared>>) offsets(%dma_start3A_71 : memref<128xi32, #tpu.memory_space<vmem>>) semaphore(%run_scoped3A : memref<!tpu.dma_semaphore, #tpu.memory_space<semaphore_mem>>) {add = true}
          %dma_wait3A = arith.constant 0 : i32
          %dma_wait3A_75 = tpu.memref_slice %arg7[%scan3A_69, %dma_wait3A] : memref<16x128xi32, #tpu.memory_space<vmem>> -> memref<1x128xi32, #tpu.memory_space<vmem>>
          %dma_wait3A_76 = tpu.memref_squeeze %dma_wait3A_75 : memref<1x128xi32, #tpu.memory_space<vmem>> -> memref<128xi32, #tpu.memory_space<vmem>>
          %dma_wait3A_77 = arith.constant 0 : i32
          %dma_wait3A_78 = arith.constant 0 : i32
          %dma_wait3A_79 = tpu.memref_slice %arg9[%dma_wait3A_77, %dma_wait3A_78] : memref<10240x128xf32, #tpu.memory_space<vmem_shared>> -> memref<10240x128xf32, #tpu.memory_space<vmem_shared>>
          tpu.wait_indirect_dma semaphore(%run_scoped3A : memref<!tpu.dma_semaphore, #tpu.memory_space<semaphore_mem>>) src(%arg8 : memref<128x128xf32, #tpu.memory_space<vmem>>) dst(%dma_wait3A_79 : memref<10240x128xf32, #tpu.memory_space<vmem_shared>>)
          tpu.yield
        }) : () -> ()
      }
      %scan3A_68 = arith.constant 16 : i32
    }
    %barrier3A_38 = arith.constant 0 : index
    tpu.barrier barrier_id(%barrier3A_38)
    %add3A_39 = arith.constant 0 : i32
    %add3A_40 = arith.addi %mul3A_2, %add3A_39 : i32
    %add3A_41 = arith.constant 0 : i32
    %add3A_42 = arith.addi %mul3A_2, %add3A_41 : i32
    "tpu.region"() ({
      %run_scoped3A = tpu.sem_alloc : memref<!tpu.dma_semaphore, #tpu.memory_space<semaphore_mem>>
      %dma_start3A = arith.constant 0 : i32
      %dma_start3A_59 = tpu.memref_slice %arg5[%arg0, %add3A_42, %dma_start3A] : memref<2x10240x128xf32, #tpu.memory_space<hbm>> -> memref<1x128x128xf32, #tpu.memory_space<hbm>>
      %dma_start3A_60 = tpu.memref_squeeze %dma_start3A_59 : memref<1x128x128xf32, #tpu.memory_space<hbm>> -> memref<128x128xf32, #tpu.memory_space<hbm>>
      %dma_start3A_61 = arith.constant 0 : i32
      %dma_start3A_62 = tpu.memref_slice %arg9[%add3A_40, %dma_start3A_61] : memref<10240x128xf32, #tpu.memory_space<vmem_shared>> -> memref<128x128xf32, #tpu.memory_space<vmem_shared>>
      tpu.enqueue_dma source(%dma_start3A_62 : memref<128x128xf32, #tpu.memory_space<vmem_shared>>) target(%dma_start3A_60 : memref<128x128xf32, #tpu.memory_space<hbm>>) target_semaphore(%run_scoped3A : memref<!tpu.dma_semaphore, #tpu.memory_space<semaphore_mem>>)
      %dma_wait3A = arith.constant 0 : i32
      %dma_wait3A_63 = tpu.memref_slice %arg5[%arg0, %add3A_42, %dma_wait3A] : memref<2x10240x128xf32, #tpu.memory_space<hbm>> -> memref<1x128x128xf32, #tpu.memory_space<hbm>>
      %dma_wait3A_64 = tpu.memref_squeeze %dma_wait3A_63 : memref<1x128x128xf32, #tpu.memory_space<hbm>> -> memref<128x128xf32, #tpu.memory_space<hbm>>
      %dma_wait3A_65 = arith.constant 0 : i32
      %dma_wait3A_66 = tpu.memref_slice %arg9[%add3A_40, %dma_wait3A_65] : memref<10240x128xf32, #tpu.memory_space<vmem_shared>> -> memref<128x128xf32, #tpu.memory_space<vmem_shared>>
      tpu.wait_dma2 semaphore(%run_scoped3A : memref<!tpu.dma_semaphore, #tpu.memory_space<semaphore_mem>>) src(%dma_wait3A_66 : memref<128x128xf32, #tpu.memory_space<vmem_shared>>) dst(%dma_wait3A_64 : memref<128x128xf32, #tpu.memory_space<hbm>>)
      tpu.yield
    }) : () -> ()
    %add3A_43 = arith.constant 128 : i32
    %add3A_44 = arith.addi %mul3A_2, %add3A_43 : i32
    %add3A_45 = arith.constant 128 : i32
    %add3A_46 = arith.addi %mul3A_2, %add3A_45 : i32
    "tpu.region"() ({
      %run_scoped3A = tpu.sem_alloc : memref<!tpu.dma_semaphore, #tpu.memory_space<semaphore_mem>>
      %dma_start3A = arith.constant 0 : i32
      %dma_start3A_59 = tpu.memref_slice %arg5[%arg0, %add3A_46, %dma_start3A] : memref<2x10240x128xf32, #tpu.memory_space<hbm>> -> memref<1x128x128xf32, #tpu.memory_space<hbm>>
      %dma_start3A_60 = tpu.memref_squeeze %dma_start3A_59 : memref<1x128x128xf32, #tpu.memory_space<hbm>> -> memref<128x128xf32, #tpu.memory_space<hbm>>
      %dma_start3A_61 = arith.constant 0 : i32
      %dma_start3A_62 = tpu.memref_slice %arg9[%add3A_44, %dma_start3A_61] : memref<10240x128xf32, #tpu.memory_space<vmem_shared>> -> memref<128x128xf32, #tpu.memory_space<vmem_shared>>
      tpu.enqueue_dma source(%dma_start3A_62 : memref<128x128xf32, #tpu.memory_space<vmem_shared>>) target(%dma_start3A_60 : memref<128x128xf32, #tpu.memory_space<hbm>>) target_semaphore(%run_scoped3A : memref<!tpu.dma_semaphore, #tpu.memory_space<semaphore_mem>>)
      %dma_wait3A = arith.constant 0 : i32
      %dma_wait3A_63 = tpu.memref_slice %arg5[%arg0, %add3A_46, %dma_wait3A] : memref<2x10240x128xf32, #tpu.memory_space<hbm>> -> memref<1x128x128xf32, #tpu.memory_space<hbm>>
      %dma_wait3A_64 = tpu.memref_squeeze %dma_wait3A_63 : memref<1x128x128xf32, #tpu.memory_space<hbm>> -> memref<128x128xf32, #tpu.memory_space<hbm>>
      %dma_wait3A_65 = arith.constant 0 : i32
      %dma_wait3A_66 = tpu.memref_slice %arg9[%add3A_44, %dma_wait3A_65] : memref<10240x128xf32, #tpu.memory_space<vmem_shared>> -> memref<128x128xf32, #tpu.memory_space<vmem_shared>>
      tpu.wait_dma2 semaphore(%run_scoped3A : memref<!tpu.dma_semaphore, #tpu.memory_space<semaphore_mem>>) src(%dma_wait3A_66 : memref<128x128xf32, #tpu.memory_space<vmem_shared>>) dst(%dma_wait3A_64 : memref<128x128xf32, #tpu.memory_space<hbm>>)
      tpu.yield
    }) : () -> ()
    %add3A_47 = arith.constant 256 : i32
    %add3A_48 = arith.addi %mul3A_2, %add3A_47 : i32
    %add3A_49 = arith.constant 256 : i32
    %add3A_50 = arith.addi %mul3A_2, %add3A_49 : i32
    "tpu.region"() ({
      %run_scoped3A = tpu.sem_alloc : memref<!tpu.dma_semaphore, #tpu.memory_space<semaphore_mem>>
      %dma_start3A = arith.constant 0 : i32
      %dma_start3A_59 = tpu.memref_slice %arg5[%arg0, %add3A_50, %dma_start3A] : memref<2x10240x128xf32, #tpu.memory_space<hbm>> -> memref<1x128x128xf32, #tpu.memory_space<hbm>>
      %dma_start3A_60 = tpu.memref_squeeze %dma_start3A_59 : memref<1x128x128xf32, #tpu.memory_space<hbm>> -> memref<128x128xf32, #tpu.memory_space<hbm>>
      %dma_start3A_61 = arith.constant 0 : i32
      %dma_start3A_62 = tpu.memref_slice %arg9[%add3A_48, %dma_start3A_61] : memref<10240x128xf32, #tpu.memory_space<vmem_shared>> -> memref<128x128xf32, #tpu.memory_space<vmem_shared>>
      tpu.enqueue_dma source(%dma_start3A_62 : memref<128x128xf32, #tpu.memory_space<vmem_shared>>) target(%dma_start3A_60 : memref<128x128xf32, #tpu.memory_space<hbm>>) target_semaphore(%run_scoped3A : memref<!tpu.dma_semaphore, #tpu.memory_space<semaphore_mem>>)
      %dma_wait3A = arith.constant 0 : i32
      %dma_wait3A_63 = tpu.memref_slice %arg5[%arg0, %add3A_50, %dma_wait3A] : memref<2x10240x128xf32, #tpu.memory_space<hbm>> -> memref<1x128x128xf32, #tpu.memory_space<hbm>>
      %dma_wait3A_64 = tpu.memref_squeeze %dma_wait3A_63 : memref<1x128x128xf32, #tpu.memory_space<hbm>> -> memref<128x128xf32, #tpu.memory_space<hbm>>
      %dma_wait3A_65 = arith.constant 0 : i32
      %dma_wait3A_66 = tpu.memref_slice %arg9[%add3A_48, %dma_wait3A_65] : memref<10240x128xf32, #tpu.memory_space<vmem_shared>> -> memref<128x128xf32, #tpu.memory_space<vmem_shared>>
      tpu.wait_dma2 semaphore(%run_scoped3A : memref<!tpu.dma_semaphore, #tpu.memory_space<semaphore_mem>>) src(%dma_wait3A_66 : memref<128x128xf32, #tpu.memory_space<vmem_shared>>) dst(%dma_wait3A_64 : memref<128x128xf32, #tpu.memory_space<hbm>>)
      tpu.yield
    }) : () -> ()
    %add3A_51 = arith.constant 384 : i32
    %add3A_52 = arith.addi %mul3A_2, %add3A_51 : i32
    %add3A_53 = arith.constant 384 : i32
    %add3A_54 = arith.addi %mul3A_2, %add3A_53 : i32
    "tpu.region"() ({
      %run_scoped3A = tpu.sem_alloc : memref<!tpu.dma_semaphore, #tpu.memory_space<semaphore_mem>>
      %dma_start3A = arith.constant 0 : i32
      %dma_start3A_59 = tpu.memref_slice %arg5[%arg0, %add3A_54, %dma_start3A] : memref<2x10240x128xf32, #tpu.memory_space<hbm>> -> memref<1x128x128xf32, #tpu.memory_space<hbm>>
      %dma_start3A_60 = tpu.memref_squeeze %dma_start3A_59 : memref<1x128x128xf32, #tpu.memory_space<hbm>> -> memref<128x128xf32, #tpu.memory_space<hbm>>
      %dma_start3A_61 = arith.constant 0 : i32
      %dma_start3A_62 = tpu.memref_slice %arg9[%add3A_52, %dma_start3A_61] : memref<10240x128xf32, #tpu.memory_space<vmem_shared>> -> memref<128x128xf32, #tpu.memory_space<vmem_shared>>
      tpu.enqueue_dma source(%dma_start3A_62 : memref<128x128xf32, #tpu.memory_space<vmem_shared>>) target(%dma_start3A_60 : memref<128x128xf32, #tpu.memory_space<hbm>>) target_semaphore(%run_scoped3A : memref<!tpu.dma_semaphore, #tpu.memory_space<semaphore_mem>>)
      %dma_wait3A = arith.constant 0 : i32
      %dma_wait3A_63 = tpu.memref_slice %arg5[%arg0, %add3A_54, %dma_wait3A] : memref<2x10240x128xf32, #tpu.memory_space<hbm>> -> memref<1x128x128xf32, #tpu.memory_space<hbm>>
      %dma_wait3A_64 = tpu.memref_squeeze %dma_wait3A_63 : memref<1x128x128xf32, #tpu.memory_space<hbm>> -> memref<128x128xf32, #tpu.memory_space<hbm>>
      %dma_wait3A_65 = arith.constant 0 : i32
      %dma_wait3A_66 = tpu.memref_slice %arg9[%add3A_52, %dma_wait3A_65] : memref<10240x128xf32, #tpu.memory_space<vmem_shared>> -> memref<128x128xf32, #tpu.memory_space<vmem_shared>>
      tpu.wait_dma2 semaphore(%run_scoped3A : memref<!tpu.dma_semaphore, #tpu.memory_space<semaphore_mem>>) src(%dma_wait3A_66 : memref<128x128xf32, #tpu.memory_space<vmem_shared>>) dst(%dma_wait3A_64 : memref<128x128xf32, #tpu.memory_space<hbm>>)
      tpu.yield
    }) : () -> ()
    %add3A_55 = arith.constant 512 : i32
    %add3A_56 = arith.addi %mul3A_2, %add3A_55 : i32
    %add3A_57 = arith.constant 512 : i32
    %add3A_58 = arith.addi %mul3A_2, %add3A_57 : i32
    "tpu.region"() ({
      %run_scoped3A = tpu.sem_alloc : memref<!tpu.dma_semaphore, #tpu.memory_space<semaphore_mem>>
      %dma_start3A = arith.constant 0 : i32
      %dma_start3A_59 = tpu.memref_slice %arg5[%arg0, %add3A_58, %dma_start3A] : memref<2x10240x128xf32, #tpu.memory_space<hbm>> -> memref<1x128x128xf32, #tpu.memory_space<hbm>>
      %dma_start3A_60 = tpu.memref_squeeze %dma_start3A_59 : memref<1x128x128xf32, #tpu.memory_space<hbm>> -> memref<128x128xf32, #tpu.memory_space<hbm>>
      %dma_start3A_61 = arith.constant 0 : i32
      %dma_start3A_62 = tpu.memref_slice %arg9[%add3A_56, %dma_start3A_61] : memref<10240x128xf32, #tpu.memory_space<vmem_shared>> -> memref<128x128xf32, #tpu.memory_space<vmem_shared>>
      tpu.enqueue_dma source(%dma_start3A_62 : memref<128x128xf32, #tpu.memory_space<vmem_shared>>) target(%dma_start3A_60 : memref<128x128xf32, #tpu.memory_space<hbm>>) target_semaphore(%run_scoped3A : memref<!tpu.dma_semaphore, #tpu.memory_space<semaphore_mem>>)
      %dma_wait3A = arith.constant 0 : i32
      %dma_wait3A_63 = tpu.memref_slice %arg5[%arg0, %add3A_58, %dma_wait3A] : memref<2x10240x128xf32, #tpu.memory_space<hbm>> -> memref<1x128x128xf32, #tpu.memory_space<hbm>>
      %dma_wait3A_64 = tpu.memref_squeeze %dma_wait3A_63 : memref<1x128x128xf32, #tpu.memory_space<hbm>> -> memref<128x128xf32, #tpu.memory_space<hbm>>
      %dma_wait3A_65 = arith.constant 0 : i32
      %dma_wait3A_66 = tpu.memref_slice %arg9[%add3A_56, %dma_wait3A_65] : memref<10240x128xf32, #tpu.memory_space<vmem_shared>> -> memref<128x128xf32, #tpu.memory_space<vmem_shared>>
      tpu.wait_dma2 semaphore(%run_scoped3A : memref<!tpu.dma_semaphore, #tpu.memory_space<semaphore_mem>>) src(%dma_wait3A_66 : memref<128x128xf32, #tpu.memory_space<vmem_shared>>) dst(%dma_wait3A_64 : memref<128x128xf32, #tpu.memory_space<hbm>>)
      tpu.yield
    }) : () -> ()
    return
  }
}

module attributes {stable_mosaic.version = 14 : i64} {
  func.func @_mm1_body(%arg0: i32, %arg1: memref<2x1000x128xf32, #tpu.memory_space<vmem>>, %arg2: memref<1000x128xf32, #tpu.memory_space<vmem>>, %arg3: memref<128x128xf32, #tpu.memory_space<vmem>>, %arg4: memref<1000x128xf32, #tpu.memory_space<vmem>>) attributes {dimension_semantics = [#tpu.dimension_semantics<arbitrary>], iteration_bounds = array<i64: 10>, scalar_prefetch = 0 : i64, scratch_operands = 0 : i64, tpu.core_type = #tpu.core_type<tc>, window_params = [{transform_indices = @transform_0, window_bounds = array<i64: 2, 1000, 128>}, {transform_indices = @transform_1, window_bounds = array<i64: 1000, 128>}, {pipeline_mode = #tpu.pipeline_mode<synchronous>, transform_indices = @transform_2, window_bounds = array<i64: 128, 128>}, {transform_indices = @transform_3, window_bounds = array<i64: 1000, 128>}]} {
    %get3A = arith.constant 0 : index
    %get3A_0 = arith.constant 0 : index
    %get3A_1 = arith.constant 0 : index
    %get3A_2 = vector.load %arg1[%get3A, %get3A_0, %get3A_1] : memref<2x1000x128xf32, #tpu.memory_space<vmem>>, vector<1x1000x128xf32>
    %get3A_3 = vector.shape_cast %get3A_2 : vector<1x1000x128xf32> to vector<1000x128xf32>
    %get3A_4 = arith.constant 1 : index
    %get3A_5 = arith.constant 0 : index
    %get3A_6 = arith.constant 0 : index
    %get3A_7 = vector.load %arg1[%get3A_4, %get3A_5, %get3A_6] : memref<2x1000x128xf32, #tpu.memory_space<vmem>>, vector<1x1000x128xf32>
    %get3A_8 = vector.shape_cast %get3A_7 : vector<1x1000x128xf32> to vector<1000x128xf32>
    %add3A = arith.addf %get3A_3, %get3A_8 : vector<1000x128xf32>
    %slice3A = vector.extract_strided_slice %add3A {offsets = [0, 0], sizes = [1000, 1], strides = [1, 1]} : vector<1000x128xf32> to vector<1000x1xf32>
    %add3A_9 = arith.constant 1.000000e+00 : f32
    %add3A_10 = vector.broadcast %add3A_9 : f32 to vector<1000x1xf32>
    %add3A_11 = arith.addf %add3A_10, %slice3A : vector<1000x1xf32>
    %rsqrt3A = math.rsqrt %add3A_11 : vector<1000x1xf32>
    %get3A_12 = arith.constant 0 : index
    %get3A_13 = arith.constant 0 : index
    %get3A_14 = vector.load %arg2[%get3A_12, %get3A_13] : memref<1000x128xf32, #tpu.memory_space<vmem>>, vector<1000x128xf32>
    %get3A_15 = arith.constant 0 : index
    %get3A_16 = arith.constant 0 : index
    %get3A_17 = vector.load %arg3[%get3A_15, %get3A_16] : memref<128x128xf32, #tpu.memory_space<vmem>>, vector<128x128xf32>
    %dot_general3A = arith.constant dense<0.000000e+00> : vector<1000x128xf32>
    %dot_general3A_18 = tpu.matmul %get3A_14, %get3A_17, %dot_general3A {dimension_numbers = #tpu.dot_dimension_numbers<[1], [0], [0], [1], [0, 0, 1, 1], [], []>, transpose_lhs_hint = false} : vector<1000x128xf32>, vector<128x128xf32>, vector<1000x128xf32> -> vector<1000x128xf32>
    %mul3A = vector.broadcast %rsqrt3A : vector<1000x1xf32> to vector<1000x128xf32>
    %mul3A_19 = arith.mulf %mul3A, %dot_general3A_18 : vector<1000x128xf32>
    %swap3A = arith.constant 0 : index
    %swap3A_20 = arith.constant 0 : index
    %swap3A_21 = vector.load %arg4[%swap3A, %swap3A_20] : memref<1000x128xf32, #tpu.memory_space<vmem>>, vector<1000x128xf32>
    tpu.vector_store %arg4[%swap3A, %swap3A_20], %mul3A_19 {strides = array<i32>} : memref<1000x128xf32, #tpu.memory_space<vmem>>, vector<1000x128xf32>,
    return
  }
  func.func @transform_0(%arg0: i32) -> (i32, i32, i32) {
    %c0_i32 = arith.constant 0 : i32
    %c0_i32_0 = arith.constant 0 : i32
    %c0_i32_1 = arith.constant 0 : i32
    return %c0_i32, %arg0, %c0_i32_0 : i32, i32, i32
  }
  func.func @transform_1(%arg0: i32) -> (i32, i32) {
    %c0_i32 = arith.constant 0 : i32
    %c0_i32_0 = arith.constant 0 : i32
    return %arg0, %c0_i32 : i32, i32
  }
  func.func @transform_2(%arg0: i32) -> (i32, i32) {
    %c0_i32 = arith.constant 0 : i32
    %c0_i32_0 = arith.constant 0 : i32
    %c0_i32_1 = arith.constant 0 : i32
    return %c0_i32, %c0_i32_0 : i32, i32
  }
  func.func @transform_3(%arg0: i32) -> (i32, i32) {
    %c0_i32 = arith.constant 0 : i32
    %c0_i32_0 = arith.constant 0 : i32
    return %arg0, %c0_i32 : i32, i32
  }
}

module attributes {stable_mosaic.version = 14 : i64} {
  func.func @_mid_body(%arg0: i32, %arg1: memref<2x1000x128xf32, #tpu.memory_space<vmem>>, %arg2: memref<2x1000x128xf32, #tpu.memory_space<vmem>>, %arg3: memref<1000x128xf32, #tpu.memory_space<vmem>>, %arg4: memref<1x128xf32, #tpu.memory_space<vmem>>, %arg5: memref<128x128xf32, #tpu.memory_space<vmem>>, %arg6: memref<1000x128xf32, #tpu.memory_space<vmem>>) attributes {dimension_semantics = [#tpu.dimension_semantics<arbitrary>], iteration_bounds = array<i64: 10>, scalar_prefetch = 0 : i64, scratch_operands = 0 : i64, tpu.core_type = #tpu.core_type<tc>, window_params = [{transform_indices = @transform_0, window_bounds = array<i64: 2, 1000, 128>}, {transform_indices = @transform_1, window_bounds = array<i64: 2, 1000, 128>}, {transform_indices = @transform_2, window_bounds = array<i64: 1000, 128>}, {pipeline_mode = #tpu.pipeline_mode<synchronous>, transform_indices = @transform_3, window_bounds = array<i64: 1, 128>}, {pipeline_mode = #tpu.pipeline_mode<synchronous>, transform_indices = @transform_4, window_bounds = array<i64: 128, 128>}, {transform_indices = @transform_5, window_bounds = array<i64: 1000, 128>}]} {
    %get3A = arith.constant 0 : index
    %get3A_0 = arith.constant 0 : index
    %get3A_1 = arith.constant 0 : index
    %get3A_2 = vector.load %arg1[%get3A, %get3A_0, %get3A_1] : memref<2x1000x128xf32, #tpu.memory_space<vmem>>, vector<1x1000x128xf32>
    %get3A_3 = vector.shape_cast %get3A_2 : vector<1x1000x128xf32> to vector<1000x128xf32>
    %get3A_4 = arith.constant 1 : index
    %get3A_5 = arith.constant 0 : index
    %get3A_6 = arith.constant 0 : index
    %get3A_7 = vector.load %arg1[%get3A_4, %get3A_5, %get3A_6] : memref<2x1000x128xf32, #tpu.memory_space<vmem>>, vector<1x1000x128xf32>
    %get3A_8 = vector.shape_cast %get3A_7 : vector<1x1000x128xf32> to vector<1000x128xf32>
    %add3A = arith.addf %get3A_3, %get3A_8 : vector<1000x128xf32>
    %slice3A = vector.extract_strided_slice %add3A {offsets = [0, 0], sizes = [1000, 1], strides = [1, 1]} : vector<1000x128xf32> to vector<1000x1xf32>
    %add3A_9 = arith.constant 1.000000e+00 : f32
    %add3A_10 = vector.broadcast %add3A_9 : f32 to vector<1000x1xf32>
    %add3A_11 = arith.addf %add3A_10, %slice3A : vector<1000x1xf32>
    %rsqrt3A = math.rsqrt %add3A_11 : vector<1000x1xf32>
    %get3A_12 = arith.constant 0 : index
    %get3A_13 = arith.constant 0 : index
    %get3A_14 = arith.constant 0 : index
    %get3A_15 = vector.load %arg2[%get3A_12, %get3A_13, %get3A_14] : memref<2x1000x128xf32, #tpu.memory_space<vmem>>, vector<1x1000x128xf32>
    %get3A_16 = vector.shape_cast %get3A_15 : vector<1x1000x128xf32> to vector<1000x128xf32>
    %get3A_17 = arith.constant 1 : index
    %get3A_18 = arith.constant 0 : index
    %get3A_19 = arith.constant 0 : index
    %get3A_20 = vector.load %arg2[%get3A_17, %get3A_18, %get3A_19] : memref<2x1000x128xf32, #tpu.memory_space<vmem>>, vector<1x1000x128xf32>
    %get3A_21 = vector.shape_cast %get3A_20 : vector<1x1000x128xf32> to vector<1000x128xf32>
    %add3A_22 = arith.addf %get3A_16, %get3A_21 : vector<1000x128xf32>
    %get3A_23 = arith.constant 0 : index
    %get3A_24 = arith.constant 0 : index
    %get3A_25 = vector.load %arg3[%get3A_23, %get3A_24] : memref<1000x128xf32, #tpu.memory_space<vmem>>, vector<1000x128xf32>
    %add3A_26 = arith.addf %add3A_22, %get3A_25 : vector<1000x128xf32>
    %mul3A = vector.broadcast %rsqrt3A : vector<1000x1xf32> to vector<1000x128xf32>
    %mul3A_27 = arith.mulf %mul3A, %add3A_26 : vector<1000x128xf32>
    %get3A_28 = arith.constant 0 : index
    %get3A_29 = arith.constant 0 : index
    %get3A_30 = vector.load %arg4[%get3A_28, %get3A_29] : memref<1x128xf32, #tpu.memory_space<vmem>>, vector<1x128xf32>
    %add3A_31 = vector.broadcast %get3A_30 : vector<1x128xf32> to vector<1000x128xf32>
    %add3A_32 = arith.addf %mul3A_27, %add3A_31 : vector<1000x128xf32>
    %max3A = arith.constant 0.000000e+00 : f32
    %max3A_33 = vector.broadcast %max3A : f32 to vector<1000x128xf32>
    %max3A_34 = arith.maximumf %add3A_32, %max3A_33 : vector<1000x128xf32>
    %get3A_35 = arith.constant 0 : index
    %get3A_36 = arith.constant 0 : index
    %get3A_37 = vector.load %arg5[%get3A_35, %get3A_36] : memref<128x128xf32, #tpu.memory_space<vmem>>, vector<128x128xf32>
    %dot_general3A = arith.constant dense<0.000000e+00> : vector<1000x128xf32>
    %dot_general3A_38 = tpu.matmul %max3A_34, %get3A_37, %dot_general3A {dimension_numbers = #tpu.dot_dimension_numbers<[1], [0], [0], [1], [0, 0, 1, 1], [], []>, transpose_lhs_hint = false} : vector<1000x128xf32>, vector<128x128xf32>, vector<1000x128xf32> -> vector<1000x128xf32>
    %mul3A_39 = vector.broadcast %rsqrt3A : vector<1000x1xf32> to vector<1000x128xf32>
    %mul3A_40 = arith.mulf %mul3A_39, %dot_general3A_38 : vector<1000x128xf32>
    %swap3A = arith.constant 0 : index
    %swap3A_41 = arith.constant 0 : index
    %swap3A_42 = vector.load %arg6[%swap3A, %swap3A_41] : memref<1000x128xf32, #tpu.memory_space<vmem>>, vector<1000x128xf32>
    tpu.vector_store %arg6[%swap3A, %swap3A_41], %mul3A_40 {strides = array<i32>} : memref<1000x128xf32, #tpu.memory_space<vmem>>, vector<1000x128xf32>,
    return
  }
  func.func @transform_0(%arg0: i32) -> (i32, i32, i32) {
    %c0_i32 = arith.constant 0 : i32
    %c0_i32_0 = arith.constant 0 : i32
    %c0_i32_1 = arith.constant 0 : i32
    return %c0_i32, %arg0, %c0_i32_0 : i32, i32, i32
  }
  func.func @transform_1(%arg0: i32) -> (i32, i32, i32) {
    %c0_i32 = arith.constant 0 : i32
    %c0_i32_0 = arith.constant 0 : i32
    %c0_i32_1 = arith.constant 0 : i32
    return %c0_i32, %arg0, %c0_i32_0 : i32, i32, i32
  }
  func.func @transform_2(%arg0: i32) -> (i32, i32) {
    %c0_i32 = arith.constant 0 : i32
    %c0_i32_0 = arith.constant 0 : i32
    return %arg0, %c0_i32 : i32, i32
  }
  func.func @transform_3(%arg0: i32) -> (i32, i32) {
    %c0_i32 = arith.constant 0 : i32
    %c0_i32_0 = arith.constant 0 : i32
    %c0_i32_1 = arith.constant 0 : i32
    return %c0_i32, %c0_i32_0 : i32, i32
  }
  func.func @transform_4(%arg0: i32) -> (i32, i32) {
    %c0_i32 = arith.constant 0 : i32
    %c0_i32_0 = arith.constant 0 : i32
    %c0_i32_1 = arith.constant 0 : i32
    return %c0_i32, %c0_i32_0 : i32, i32
  }
  func.func @transform_5(%arg0: i32) -> (i32, i32) {
    %c0_i32 = arith.constant 0 : i32
    %c0_i32_0 = arith.constant 0 : i32
    return %arg0, %c0_i32 : i32, i32
  }
}

module attributes {stable_mosaic.version = 14 : i64} {
  func.func @_out_body(%arg0: i32, %arg1: memref<2x1000x128xf32, #tpu.memory_space<vmem>>, %arg2: memref<2x1000x128xf32, #tpu.memory_space<vmem>>, %arg3: memref<1000x128xf32, #tpu.memory_space<vmem>>, %arg4: memref<1x128xf32, #tpu.memory_space<vmem>>, %arg5: memref<1000x128xf32, #tpu.memory_space<vmem>>) attributes {dimension_semantics = [#tpu.dimension_semantics<arbitrary>], iteration_bounds = array<i64: 10>, scalar_prefetch = 0 : i64, scratch_operands = 0 : i64, tpu.core_type = #tpu.core_type<tc>, window_params = [{transform_indices = @transform_0, window_bounds = array<i64: 2, 1000, 128>}, {transform_indices = @transform_1, window_bounds = array<i64: 2, 1000, 128>}, {transform_indices = @transform_2, window_bounds = array<i64: 1000, 128>}, {pipeline_mode = #tpu.pipeline_mode<synchronous>, transform_indices = @transform_3, window_bounds = array<i64: 1, 128>}, {transform_indices = @transform_4, window_bounds = array<i64: 1000, 128>}]} {
    %get3A = arith.constant 0 : index
    %get3A_0 = arith.constant 0 : index
    %get3A_1 = arith.constant 0 : index
    %get3A_2 = vector.load %arg1[%get3A, %get3A_0, %get3A_1] : memref<2x1000x128xf32, #tpu.memory_space<vmem>>, vector<1x1000x128xf32>
    %get3A_3 = vector.shape_cast %get3A_2 : vector<1x1000x128xf32> to vector<1000x128xf32>
    %get3A_4 = arith.constant 1 : index
    %get3A_5 = arith.constant 0 : index
    %get3A_6 = arith.constant 0 : index
    %get3A_7 = vector.load %arg1[%get3A_4, %get3A_5, %get3A_6] : memref<2x1000x128xf32, #tpu.memory_space<vmem>>, vector<1x1000x128xf32>
    %get3A_8 = vector.shape_cast %get3A_7 : vector<1x1000x128xf32> to vector<1000x128xf32>
    %add3A = arith.addf %get3A_3, %get3A_8 : vector<1000x128xf32>
    %slice3A = vector.extract_strided_slice %add3A {offsets = [0, 0], sizes = [1000, 1], strides = [1, 1]} : vector<1000x128xf32> to vector<1000x1xf32>
    %add3A_9 = arith.constant 1.000000e+00 : f32
    %add3A_10 = vector.broadcast %add3A_9 : f32 to vector<1000x1xf32>
    %add3A_11 = arith.addf %add3A_10, %slice3A : vector<1000x1xf32>
    %rsqrt3A = math.rsqrt %add3A_11 : vector<1000x1xf32>
    %get3A_12 = arith.constant 0 : index
    %get3A_13 = arith.constant 0 : index
    %get3A_14 = arith.constant 0 : index
    %get3A_15 = vector.load %arg2[%get3A_12, %get3A_13, %get3A_14] : memref<2x1000x128xf32, #tpu.memory_space<vmem>>, vector<1x1000x128xf32>
    %get3A_16 = vector.shape_cast %get3A_15 : vector<1x1000x128xf32> to vector<1000x128xf32>
    %get3A_17 = arith.constant 1 : index
    %get3A_18 = arith.constant 0 : index
    %get3A_19 = arith.constant 0 : index
    %get3A_20 = vector.load %arg2[%get3A_17, %get3A_18, %get3A_19] : memref<2x1000x128xf32, #tpu.memory_space<vmem>>, vector<1x1000x128xf32>
    %get3A_21 = vector.shape_cast %get3A_20 : vector<1x1000x128xf32> to vector<1000x128xf32>
    %add3A_22 = arith.addf %get3A_16, %get3A_21 : vector<1000x128xf32>
    %get3A_23 = arith.constant 0 : index
    %get3A_24 = arith.constant 0 : index
    %get3A_25 = vector.load %arg3[%get3A_23, %get3A_24] : memref<1000x128xf32, #tpu.memory_space<vmem>>, vector<1000x128xf32>
    %add3A_26 = arith.addf %add3A_22, %get3A_25 : vector<1000x128xf32>
    %mul3A = vector.broadcast %rsqrt3A : vector<1000x1xf32> to vector<1000x128xf32>
    %mul3A_27 = arith.mulf %mul3A, %add3A_26 : vector<1000x128xf32>
    %get3A_28 = arith.constant 0 : index
    %get3A_29 = arith.constant 0 : index
    %get3A_30 = vector.load %arg4[%get3A_28, %get3A_29] : memref<1x128xf32, #tpu.memory_space<vmem>>, vector<1x128xf32>
    %add3A_31 = vector.broadcast %get3A_30 : vector<1x128xf32> to vector<1000x128xf32>
    %add3A_32 = arith.addf %mul3A_27, %add3A_31 : vector<1000x128xf32>
    %swap3A = arith.constant 0 : index
    %swap3A_33 = arith.constant 0 : index
    %swap3A_34 = vector.load %arg5[%swap3A, %swap3A_33] : memref<1000x128xf32, #tpu.memory_space<vmem>>, vector<1000x128xf32>
    tpu.vector_store %arg5[%swap3A, %swap3A_33], %add3A_32 {strides = array<i32>} : memref<1000x128xf32, #tpu.memory_space<vmem>>, vector<1000x128xf32>,
    return
  }
  func.func @transform_0(%arg0: i32) -> (i32, i32, i32) {
    %c0_i32 = arith.constant 0 : i32
    %c0_i32_0 = arith.constant 0 : i32
    %c0_i32_1 = arith.constant 0 : i32
    return %c0_i32, %arg0, %c0_i32_0 : i32, i32, i32
  }
  func.func @transform_1(%arg0: i32) -> (i32, i32, i32) {
    %c0_i32 = arith.constant 0 : i32
    %c0_i32_0 = arith.constant 0 : i32
    %c0_i32_1 = arith.constant 0 : i32
    return %c0_i32, %arg0, %c0_i32_0 : i32, i32, i32
  }
  func.func @transform_2(%arg0: i32) -> (i32, i32) {
    %c0_i32 = arith.constant 0 : i32
    %c0_i32_0 = arith.constant 0 : i32
    return %arg0, %c0_i32 : i32, i32
  }
  func.func @transform_3(%arg0: i32) -> (i32, i32) {
    %c0_i32 = arith.constant 0 : i32
    %c0_i32_0 = arith.constant 0 : i32
    %c0_i32_1 = arith.constant 0 : i32
    return %c0_i32, %c0_i32_0 : i32, i32
  }
  func.func @transform_4(%arg0: i32) -> (i32, i32) {
    %c0_i32 = arith.constant 0 : i32
    %c0_i32_0 = arith.constant 0 : i32
    return %arg0, %c0_i32 : i32, i32
  }
}

</mosaic_0001>

<sc_bundles>
// kernel: kernel.11.cloned.1.call-start
scs
__scs_entry_jumppad:
0x0: {  	(pc) =	sbr.rel $0x88, $3  }
0x1: {  	(tag) =	ssettag $0x0;
	lr =	simm.s32 $0x1  }
0x2: {  	[smem:$0x3F9B] =	sst lr;
	_ =	strace $0xD0000000  }
0x3: {  	_ = 	snop  }
0x4: {  	_ = 	snop  }
0x5: {  	_ = 	snop  }
0x6: {  	_ = 	snop  }
0x7: {  	_ = 	snop  }
__scs_overlays_trampoline_lowered:
0x8: {  	[smem:$0x3FAA] =	sst s0  }
0x9: {  	[smem:$0x3FAB] =	sst s1  }
0xa: {  	[smem:$0x3FAC] =	sst s2  }
0xb: {  	[smem:$0x3FAD] =	sst s3  }
0xc: {  	[smem:$0x3FAE] =	sst s4  }
0xd: {  	[smem:$0x3FAF] =	sst s5  }
0xe: {  	[smem:$0x3FB0] =	sst s6  }
0xf: {  	[smem:$0x3FB1] =	sst s7  }
0x10: {  	[smem:$0x3FB2] =	sst s8  }
0x11: {  	[smem:$0x3FB3] =	sst s9;
	s0 =	simm.s32 @!p0 $0x0  }
0x12: {  	s1 =	sld [smem:$0x3F99];
	s0 =	simm.s32 @p0 $0x1  }
0x13: {  	[smem:$0x3FB4] =	sst s0;
	s0 =	simm.s32 @!p1 $0x0  }
0x14: {  	s2 =	sld [smem:$0x3F98];
	s0 =	simm.s32 @p1 $0x1  }
0x15: {  	[smem:$0x3FB5] =	sst s0;
	s0 =	simm.s32 @!p2 $0x0  }
0x16: {  	s3 =	sld [smem:$0x3FDB];
	s0 =	simm.s32 @p2 $0x1  }
0x17: {  	s4 =	simm.s32 $0x1BF5;
	[smem:$0x3FB7] =	sst s0  }
0x18: {  	s0 =	sld [smem:$0x3F9A];
	_ =	swait.ge [sflag:s4], $0x0  }
0x19: {  	s7 =	sld [smem:$0x3F9B]  }
0x1a: {  	s8 =	sadd.s32 $0xFFFFE003, lr  }
0x1b: {  	s9 =	sadd.s32 $0xFFFFFEF7, lr;
	s5 =	simm.s32 $0xFFFFFFFF;
	p2 =	slt.u32 s8, $0xFFFFF086  }
0x1c: {  	p1 =	slt.u32 s9, $0xF7A;
	s5 =	simm.s32 @!p2 $0x0  }
0x1d: {  	s5 =	simm.s32 @p1 $0x1;
	p0 =	seq.s32 s7, s2  }
0x1e: {  	s7 =	smul.u32 @!p0 $0xF7A, s2;
	p2 =	seq.s32 @!p0 s5, $0x0  }
0x1f: {  	s9 =	smul.u32 $0xF7A, s1;
	s8 =	simm.s32 @!p0 $0x1BF5;
	p2 =	por !p2, p0  }
0x20: {  	[sflag:s8] =	ssyncset.s32 @!p0 $0xFFFFF086;
	s6 =	sadd.s32 @!p0 s3, s7;
	s7 =	simm.s32 @!p0 $0x108  }
0x21: {  	s3 =	sadd.s32 s3, s9;
	s6 =	sadd.s32 @!p0 $0x88, s6;
	s7 =	simm.s32 @p2 $0x1082  }
0x22: {  	[simem:s7], [sflag:s8] =	dma.local @!p0 [hbm:s6], $0xF7A  }
0x23: {  	s9 =	sor.u32 $0xD0000000, s2;
	s6 =	simm.s32 $0x108;
	_ =	swait.ge @!p0 [sflag:s8], $0x0  }
0x24: {  	s3 =	sadd.s32 $0x88, s3;
	s6 =	simm.s32 @!p1 $0x1082;
	[sflag:s4] =	ssyncset.s32 $0xFFFFF086  }
0x25: {  	[simem:s6], [sflag:s4] =	dma.local [hbm:s3], $0xF7A  }
0x26: {  	[smem:$0x3F9B] =	sst s1;
	(tag) =	ssettag s2;
	_ =	strace s9  }
0x27: {  	s1 =	sld [smem:$0x3FAB]  }
0x28: {  	s2 =	sld [smem:$0x3FAC]  }
0x29: {  	s4 =	sld [smem:$0x3FAE]  }
0x2a: {  	p0 =	seq.s32 s5, $0x0;
	s5 =	sld [smem:$0x3FAF]  }
0x2b: {  	s6 =	sld [smem:$0x3FB0]  }
0x2c: {  	s7 =	sld [smem:$0x3FB1]  }
0x2d: {  	s3 =	simm.s32 $0x108;
	s8 =	sld [smem:$0x3FB2]  }
0x2e: {  	s3 =	simm.s32 @!p0 $0x1082;
	s9 =	sld [smem:$0x3FB3]  }
0x2f: {  	lr =	sadd.s32 s0, s3;
	s0 =	sld [smem:$0x3FAA]  }
0x30: {  	s3 =	sld [smem:$0x3FAD]  }
0x31: {  	[smem:$0x3FB6] =	sst s10  }
0x32: {  	s10 =	sld [smem:$0x3FB4];
	_ =	sdelay $0x3  }
0x33: {  	p0 =	seq.s32 s10, $0x1;
	s10 =	sld [smem:$0x3FB6];
	_ =	sdelay $0x3  }
0x34: {  	[smem:$0x3FB6] =	sst s10  }
0x35: {  	s10 =	sld [smem:$0x3FB5];
	_ =	sdelay $0x3  }
0x36: {  	p1 =	seq.s32 s10, $0x1;
	s10 =	sld [smem:$0x3FB6];
	_ =	sdelay $0x3  }
0x37: {  	[smem:$0x3FB6] =	sst s10  }
0x38: {  	s10 =	sld [smem:$0x3FB7]  }
0x39: {  	_ = 	snop;
	(pc) =	sbr.ind lr, $3  }
0x3a: {  	_ = 	snop  }
0x3b: {  	_ = 	snop  }
0x3c: {  	p2 =	seq.s32 s10, $0x1;
	s10 =	sld [smem:$0x3FB6]  }
0x3d: {  	_ =	shalt  }
0x3e: {  	_ =	shalt  }
0x3f: {  	_ =	shalt  }
0x40: {  	_ =	shalt  }
0x41: {  	_ =	shalt  }
0x42: {  	_ =	shalt  }
0x43: {  	_ =	shalt  }
0x44: {  	_ =	shalt  }
0x45: {  	_ =	shalt  }
0x46: {  	_ =	shalt  }
0x47: {  	_ =	shalt  }
0x48: {  	_ =	shalt  }
0x49: {  	_ =	shalt  }
0x4a: {  	_ =	shalt  }
0x4b: {  	_ =	shalt  }
0x4c: {  	_ =	shalt  }
0x4d: {  	_ =	shalt  }
0x4e: {  	_ =	shalt  }
0x4f: {  	_ =	shalt  }
0x50: {  	_ =	shalt  }
0x51: {  	_ =	shalt  }
0x52: {  	_ =	shalt  }
0x53: {  	_ =	shalt  }
0x54: {  	_ =	shalt  }
0x55: {  	_ =	shalt  }
0x56: {  	_ =	shalt  }
0x57: {  	_ =	shalt  }
0x58: {  	_ =	shalt  }
0x59: {  	_ =	shalt  }
0x5a: {  	_ =	shalt  }
0x5b: {  	_ =	shalt  }
0x5c: {  	_ =	shalt  }
0x5d: {  	_ =	shalt  }
0x5e: {  	_ =	shalt  }
0x5f: {  	_ =	shalt  }
0x60: {  	_ =	shalt  }
0x61: {  	_ =	shalt  }
0x62: {  	_ =	shalt  }
0x63: {  	_ =	shalt  }
0x64: {  	_ =	shalt  }
0x65: {  	_ =	shalt  }
0x66: {  	_ =	shalt  }
0x67: {  	_ =	shalt  }
0x68: {  	_ =	shalt  }
0x69: {  	_ =	shalt  }
0x6a: {  	_ =	shalt  }
0x6b: {  	_ =	shalt  }
0x6c: {  	_ =	shalt  }
0x6d: {  	_ =	shalt  }
0x6e: {  	_ =	shalt  }
0x6f: {  	_ =	shalt  }
0x70: {  	_ =	shalt  }
0x71: {  	_ =	shalt  }
0x72: {  	_ =	shalt  }
0x73: {  	_ =	shalt  }
0x74: {  	_ =	shalt  }
0x75: {  	_ =	shalt  }
0x76: {  	_ =	shalt  }
0x77: {  	_ =	shalt  }
0x78: {  	_ =	shalt  }
0x79: {  	_ =	shalt  }
0x7a: {  	_ =	shalt  }
0x7b: {  	_ =	shalt  }
0x7c: {  	_ =	shalt  }
0x7d: {  	_ =	shalt  }
0x7e: {  	_ =	shalt  }
0x7f: {  	_ =	shalt  }
0x80: {  	_ =	shalt  }
0x81: {  	_ =	shalt  }
0x82: {  	_ =	shalt  }
0x83: {  	_ =	shalt  }
0x84: {  	_ =	shalt  }
0x85: {  	_ =	shalt  }
0x86: {  	_ =	shalt  }
0x87: {  	_ =	shalt  }
.Lfunc_end0:
.L_simem_size_0:
called_computation.1_lowered:
.L_overlay_start_0:
0x88: {  	s2 =	sld [smem:$0x3FD9]  }
0x89: {  	s3 =	sld [smem:$0x3FFE];
	_ =	sdelay $0x1  }
0x8a: {  	s1 =	srdreg.scid  }
0x8b: {  	s0 =	sand.u32 $0x1, s1  }
0x8c: {  	s17 =	sshll.u32 s0, $0xA;
	s2 =	sadd.s32 s3, s2  }
0x8d: {  	s2 =	sadd.s32 s2, s17  }
0x8e: {  	[smem:$0x3FC2] =	sst s2  }
0x8f: {  	_ = 	snop  }
0x90: {  	s2 =	sld [smem:$0x3FD0];
	(tm) =	ssettm $0x1  }
0x91: {  	s18 =	sld [smem:$0x3FFB];
	_ =	sdelay $0x3  }
0x92: {  	_ =	strace s18  }
0x93: {  	s3 =	sld [smem:$0x3FFC];
	_ =	sdelay $0x3  }
0x94: {  	_ =	strace s3  }
0x95: {  	s3 =	sld [smem:$0x3FFD];
	_ =	sdelay $0x3  }
0x96: {  	_ =	strace s3  }
0x97: {  	_ =	strace $0x8FFFFFFF  }
0x98: {  	s19 =	sld [smem:$0x3FDB];
	_ =	sdelay $0x1  }
0x99: {  	s4 =	simm.s32 $_scs_section_size  }
0x9a: {  	s5 =	simm.s32 $_size__tile_overlayer_lowered;
	s6 =	simm.s32 $_tile_overlayer_lowered  }
0x9b: {  	s22 =	simm.s32 $0x1BFF;
	s21 =	sshll.u32 s6, $0x1;
	s3 =	sadd.s32 s4, s19  }
0x9c: {  	s7 =	simm.s32 $0x0;
	s20 =	sshll.u32 s5, $0x1;
	s5 =	sadd.s32 s21, s3  }
0x9d: {  	[timem:s7], [sflag:s22] =	dma.local [hbm:s5], s20  }
0x9e: {  	_ =	swait.ge [sflag:s22], s20  }
0x9f: {  	s4 =	ssub.s32 $0x0, s20;
	[sflag:s22] =	ssyncset.done $0x0  }
0xa0: {  	[sflag:s22] =	ssyncadd.s32 s4;
	_ =	sdelay $0x1  }
0xa1: {  	s23 =	simm.s32 $0x1B8B  }
0xa2: {  	_ =	swait.ge [sflag:s23], $0x1  }
0xa3: {  	[sflag:s23] =	ssyncset.done $0x0  }
0xa4: {  	s25 =	simm.s32 $0x1B8E;
	s24 =	sld [smem:$0x3FFE];
	[sflag:s23] =	ssyncadd.s32 $0xFFFFFFFF  }
0xa5: {  	s26 =	simm.s32 $execute0_lowered;
	[smem:$0x3FD2] =	sst s25  }
0xa6: {  	s5 =	sshll.u32 s26, $0x1;
	_ =	strace $0x80000049;
	[dreg:$0x1] =	wrdreg $0xFFFFFFFF  }
0xa7: {  	s28 =	simm.s32 $_size_execute0_lowered;
	s3 =	sadd.s32 s3, s5;
	[dreg:$0x0] =	wrdreg $0x0  }
0xa8: {  	s5 =	sshll.u32 s28, $0x1;
	[dreg:$0x2] =	wrdreg s3  }
0xa9: {  	[dreg:$0x3] =	wrdreg s5  }
0xaa: {  	[dreg:$0x4] =	wrdreg $0xC0  }
0xab: {  	_ =	task [dreg:s7], $0x5FFFF  }
0xac: {  	[dreg:$0x1] =	wrdreg $0xFFFFFFFF  }
0xad: {  	[dreg:$0x0] =	wrdreg $0x60  }
0xae: {  	[dreg:$0x2] =	wrdreg s24  }
0xaf: {  	[dreg:$0x3] =	wrdreg s2  }
0xb0: {  	[dreg:$0x4] =	wrdreg $0x50000  }
0xb1: {  	[dreg:$0x5] =	wrdreg $0x9  }
0xb2: {  	_ =	task.clear_ibuf [dreg:s7], $0x6FFFF;
	_ =	strace $0x90000049  }
0xb3: {  	s29 =	simm.s32 $0x9;
	_ =	strace $0x8000004B  }
0xb4: {  	_ =	swait.ge [sflag:s29], $0x1  }
0xb5: {  	[sflag:s29] =	ssyncadd.s32 $0xFFFFFFFF  }
0xb6: {  	_ =	strace $0x9000004B  }
0xb7: {  	_ =	sfence  }
0xb8: {  	s30 =	sld [smem:$0x0];
	_ =	sdelay $0x2  }
0xb9: {  	s31 =	sshll.u32 s1, $0xD;
	s1 =	sshrl.u32 s1, $0x2  }
0xba: {  	s3 =	sand.u32 $0x4000, s31;
	s1 =	sadd.s32 s1, s30  }
0xbb: {  	s0 =	sor.u32 s3, s0;
	s1 =	sshll.u32 s1, $0x11  }
0xbc: {  	s0 =	sor.u32 s1, s0  }
0xbd: {  	s0 =	sadd.s32 $0x8F2B, s0  }
0xbe: {  	[sflag:s0] =	ssyncadd.remote.s32 $0x1  }
0xbf: {  	_ =	sfence.sel $0xFFFF  }
0xc0: {  	[dreg:$0x0] =	wrdreg $0xFFFFFFFF;
	(pc) =	sbr.abs _section_cstart, $3  }
0xc1: {  	[dreg:$0x1] =	wrdreg $0xFFFFFFFF  }
0xc2: {  	_ =	task.clear_ibuf [dreg:s7], $0x2FFFF;
	_ =	strace $0x9FFFFFFF  }
0xc3: {  	(tm) =	ssettm $0x7FFFFFFF  }
tec
execute0_lowered:
.L_overlay_start_1:
0x0: {  	(tag) =	ssettag $0x1  }
0x1: {  	s7 =	rddreg [dreg:$0x0]  }
0x2: {  	s1 =	rddreg [dreg:$0x1]  }
0x3: {  	s2 =	rddreg [dreg:$0x2]  }
0x4: {  	s0 =	rddreg [dreg:$0x3];
	s4 =	simm.s32 $0x0;
	s5 =	srdreg.scid  }
0x5: {  	s3 =	stileid.u32;
	[smem:$0x7FF] =	sst s4  }
0x6: {  	s23 =	sand.u32 $0x1, s5;
	s8 =	smul.u32 $0x50000, s3;
	s5 =	sadd.s32 $0xC000, s7  }
0x7: {  	s12 =	smul.u32 $0x14000, s3;
	s6 =	sadd.s32 $0x2000, s7;
	s17 =	sadd.s32 $0x16000, s7  }
0x8: {  	s14 =	smul.u32 $0x90, s3;
	s21 =	sshll.u32 s3, $0x4;
	_ =	strace $0x8000004A  }
0x9: {  	s9 =	ssub.s32 $0x2, s23;
	s20 =	smul.u32 $0x140000, s23;
	p0 =	seq.s32 s23, $0x0  }
0xa: {  	s21 =	sor.u32 $0x900, s21;
	s29 =	sshrl.u32 s9, $0x1;
	s30 =	sshrl.u32 s8, $0x2  }
0xb: {  	s13 =	sadd.s32 $0x4000, s12;
	s15 =	sadd.s32 $0x8000, s12;
	s16 =	sadd.s32 $0xC000, s12  }
0xc: {  	s19 =	sadd.s32 $0x10000, s12;
	s21 =	smov.u32 @p0 s14;
	p0 =	sne.s32 s23, $0x0  }
0xd: {  	s18 =	ssub.s32 s9, s29;
	s7 =	sadd.s32 s30, s2;
	s8 =	sadd.s32 s13, s2  }
0xe: {  	s9 =	sadd.s32 s15, s2;
	s10 =	sadd.s32 s16, s2;
	s11 =	sadd.s32 s19, s2  }
0xf: {  	s12 =	sadd.s32 s12, s20;
	s13 =	sadd.s32 s20, s13;
	s15 =	sadd.s32 s20, s15  }
0x10: {  	s16 =	sadd.s32 s20, s16;
	s19 =	sadd.s32 s20, s19;
	s20 =	simm.s32 $0x1  }
0x11: {  	s31 =	sshrl.u32 s12, $0x3;
	s22 =	sshrl.u32 s13, $0x3;
	s12 =	sshll.u32 s21, $0x7  }
0x12: {  	s15 =	sshrl.u32 s15, $0x3;
	s16 =	sshrl.u32 s16, $0x3;
	s19 =	sshrl.u32 s19, $0x3  }
0x13: {  	s18 =	smax.u32 s18, $0x1;
	s21 =	simm.s32 $0x800;
	s13 =	sadd.s32 s17, s31  }
0x14: {  	s14 =	sadd.s32 s17, s22;
	s15 =	sadd.s32 s17, s15;
	s16 =	sadd.s32 s17, s16  }
0x15: {  	v0 =	vimm.f32 $0.0e+00;
	s17 =	sadd.s32 s17, s19;
	s19 =	simm.s32 $0x1000;
	s22 =	simm.s32 $0x80  }
.LBB2_1:
0x16: {  	s23 =	simm.s32 $0x0;
	s24 =	simm.s32 $0x200  }
.LBB2_2:
0x17: {  	p1 =	sne.s32 s24, $0xFE00;
	[tilespmem:s23+$0x1070] =	vst v0  }
0x18: {  	[tilespmem:s23+$0x1000] =	vst v0  }
0x19: {  	[tilespmem:s23+$0x1010] =	vst v0  }
.Ltmp0:
0x1a: {  	[tilespmem:s23+$0x1020] =	vst v0;
	(pc) =	sbr.rel @p1 .LBB2_2-.Ltmp0, $4  }
0x1b: {  	[tilespmem:s23+$0x1030] =	vst v0  }
0x1c: {  	[tilespmem:s23+$0x1040] =	vst v0  }
0x1d: {  	[tilespmem:s23+$0x1050] =	vst v0  }
0x1e: {  	[tilespmem:s23+$0x1060] =	vst v0;
	s23 =	sshra.s32 s24, $0x2;
	s24 =	sadd.s32 $0x200, s24  }
0x1f: {  	[tilespmem:s23+$0x1070] =	vst v0  }
0x20: {  	[tilespmem:s23+$0x1000] =	vst v0  }
0x21: {  	[tilespmem:s23+$0x1010] =	vst v0  }
0x22: {  	[tilespmem:s23+$0x1020] =	vst v0  }
0x23: {  	[tilespmem:s23+$0x1030] =	vst v0  }
0x24: {  	[tilespmem:s23+$0x1040] =	vst v0  }
0x25: {  	[tilespmem:s23+$0x1050] =	vst v0  }
0x26: {  	[tilespmem:s23+$0x1060] =	vst v0  }
0x27: {  	[spmem:s7] =	stream.linear.scatter [tilespmem:s19], [sflag:$0x1], $0x4000, $0x38;
	[tilespmem:$0x19000] =	vst v63  }
0x28: {  	_ =	swait.ge [sflag:s20], $0x4000  }
0x29: {  	[sflag:s20] =	ssyncset.done $0x0  }
0x2a: {  	[sflag:s20] =	ssyncadd.s32 $0xFFFFC000  }
0x2b: {  	[spmem:s8] =	stream.linear.scatter [tilespmem:s19], [sflag:$0x1], $0x4000, $0x38;
	[tilespmem:$0x19000] =	vst v63  }
0x2c: {  	_ =	swait.ge [sflag:s20], $0x4000  }
0x2d: {  	[sflag:s20] =	ssyncset.done $0x0  }
0x2e: {  	[sflag:s20] =	ssyncadd.s32 $0xFFFFC000  }
0x2f: {  	[spmem:s9] =	stream.linear.scatter [tilespmem:s19], [sflag:$0x1], $0x4000, $0x38;
	[tilespmem:$0x19000] =	vst v63  }
0x30: {  	_ =	swait.ge [sflag:s20], $0x4000  }
0x31: {  	[sflag:s20] =	ssyncset.done $0x0  }
0x32: {  	[sflag:s20] =	ssyncadd.s32 $0xFFFFC000  }
0x33: {  	[spmem:s10] =	stream.linear.scatter [tilespmem:s19], [sflag:$0x1], $0x4000, $0x38;
	[tilespmem:$0x19000] =	vst v63  }
0x34: {  	_ =	swait.ge [sflag:s20], $0x4000  }
0x35: {  	[sflag:s20] =	ssyncset.done $0x0  }
0x36: {  	[sflag:s20] =	ssyncadd.s32 $0xFFFFC000  }
0x37: {  	[spmem:s11] =	stream.linear.scatter [tilespmem:s19], [sflag:$0x1], $0x4000, $0x38;
	[tilespmem:$0x19000] =	vst v63  }
0x38: {  	_ =	swait.ge [sflag:s20], $0x4000  }
0x39: {  	[sflag:s20] =	ssyncset.done $0x0  }
0x3a: {  	[sflag:s20] =	ssyncadd.s32 $0xFFFFC000  }
0x3b: {  	s23 =	simm.s32 $0x0;
	s24 =	simm.s32 $0x0;
	[bflag:$0x0] =	sbarrier.arrive $0xFFFF  }
.LBB2_4:
0x3c: {  	s25 =	sshll.u32 s24, $0xB  }
0x3d: {  	s25 =	sadd.s32 s12, s25  }
0x3e: {  	s25 =	sshrl.u32 s25, $0x3  }
0x3f: {  	s26 =	sadd.s32 s5, s25  }
0x40: {  	[tilespmem:s23], [sflag:$0x1] =	stream.linear.gather [hbm4b:s26+s23], $0x800, $0x38;
	[tilespmem:$0x19000] =	vst v63  }
0x41: {  	_ =	swait.ge [sflag:s20], $0x800  }
0x42: {  	[sflag:s20] =	ssyncset.done $0x0  }
0x43: {  	s25 =	sadd.s32 s6, s25;
	[sflag:s20] =	ssyncadd.s32 $0xFFFFF800  }
0x44: {  	[tilespmem:s21], [sflag:$0x1] =	stream.linear.gather [hbm4b:s25+s23], $0x800, $0x38;
	[tilespmem:$0x19000] =	vst v63  }
0x45: {  	_ =	swait.ge [sflag:s20], $0x800  }
0x46: {  	[sflag:s20] =	ssyncset.done $0x0  }
0x47: {  	s30 =	simm.s32 $0x0;
	[sflag:s20] =	ssyncadd.s32 $0xFFFFF800  }
0x48: {  	[tilespmem:s19], [sflag:$0x1] =	stream.indirect.gather [hbm4b:s1+s22], $0x80, s30, s22, $0xb8;
	[tilespmem:$0x19000] =	vst v63  }
0x49: {  	_ =	swait.ge [sflag:s20], $0x4000  }
0x4a: {  	[sflag:s20] =	ssyncset.done $0x0  }
0x4b: {  	s31 =	simm.s32 $0x800;
	[sflag:s20] =	ssyncadd.s32 $0xFFFFC000  }
0x4c: {  	[spmem:s2] =	stream.indirect.scatter.add.f32 [tilespmem:s19], [sflag:$0x1], $0x80, s31, s22, $0xb8;
	[tilespmem:$0x19000] =	vst v63  }
0x4d: {  	_ =	swait.ge [sflag:s20], $0x4000  }
0x4e: {  	s26 =	simm.s32 $0x400;
	s25 =	simm.s32 $0x200;
	[sflag:s20] =	ssyncset.done $0x0  }
.LBB2_5:
0x4f: {  	s28 =	sshra.s32 s25, $0x2  }
0x50: {  	[sflag:s20] =	ssyncadd.s32 $0xFFFFC000;
	s25 =	smov.u32 s26;
	s29 =	sadd.s32 $0x200, s26  }
0x51: {  	[tilespmem:s19], [sflag:$0x1] =	stream.indirect.gather [hbm4b:s1+s22], $0x80, s28, s22, $0xb8;
	[tilespmem:$0x19000] =	vst v63  }
0x52: {  	p1 =	sne.s32 s26, $0x1E00;
	_ =	swait.ge [sflag:s20], $0x4000  }
.Ltmp1:
0x53: {  	[sflag:s20] =	ssyncset.done $0x0;
	(pc) =	sbr.rel @p1 .LBB2_5-.Ltmp1, $4  }
0x54: {  	s26 =	sadd.s32 $0x800, s28;
	[sflag:s20] =	ssyncadd.s32 $0xFFFFC000  }
0x55: {  	[spmem:s2] =	stream.indirect.scatter.add.f32 [tilespmem:s19], [sflag:$0x1], $0x80, s26, s22, $0xb8;
	[tilespmem:$0x19000] =	vst v63  }
0x56: {  	_ =	swait.ge [sflag:s20], $0x4000  }
0x57: {  	s26 =	smov.u32 s29;
	[sflag:s20] =	ssyncset.done $0x0  }
0x58: {  	s25 =	sshra.s32 s25, $0x2;
	[sflag:s20] =	ssyncadd.s32 $0xFFFFC000  }
0x59: {  	[tilespmem:s19], [sflag:$0x1] =	stream.indirect.gather [hbm4b:s1+s22], $0x80, s25, s22, $0xb8;
	[tilespmem:$0x19000] =	vst v63  }
0x5a: {  	p1 =	slt.u32 @!p0 s24, $0x8;
	_ =	swait.ge [sflag:s20], $0x4000  }
0x5b: {  	p1 =	por p0, !p1;
	[sflag:s20] =	ssyncset.done $0x0  }
.Ltmp2:
0x5c: {  	s25 =	sadd.s32 $0x800, s25;
	[sflag:s20] =	ssyncadd.s32 $0xFFFFC000;
	(pc) =	sbr.rel @!p1 .LBB2_4-.Ltmp2, $4  }
0x5d: {  	[spmem:s2] =	stream.indirect.scatter.add.f32 [tilespmem:s19], [sflag:$0x1], $0x80, s25, s22, $0xb8;
	[tilespmem:$0x19000] =	vst v63  }
0x5e: {  	_ =	swait.ge [sflag:s20], $0x4000  }
0x5f: {  	[sflag:s20] =	ssyncset.done $0x0  }
0x60: {  	s24 =	sadd.s32 $0x1, s24;
	[sflag:s20] =	ssyncadd.s32 $0xFFFFC000  }
0x61: {  	s23 =	sshll.u32 s3, $0x6  }
0x62: {  	[bflag:$0x0] =	sbarrier.arrive $0xFFFF;
	s24 =	sshrl.u32 s7, $0x3;
	s23 =	sor.u32 $0x1C01, s23  }
0x63: {  	[hbm:s13], [sflag:s23] =	dma.local [spmem:s24], $0x800  }
0x64: {  	_ =	swait.ge [sflag:s20], $0x800  }
0x65: {  	[sflag:s20] =	ssyncset.done $0x0  }
0x66: {  	s28 =	sshrl.u32 s8, $0x3;
	[sflag:s20] =	ssyncadd.s32 $0xFFFFF800  }
0x67: {  	[hbm:s14], [sflag:s23] =	dma.local [spmem:s28], $0x800  }
0x68: {  	_ =	swait.ge [sflag:s20], $0x800  }
0x69: {  	[sflag:s20] =	ssyncset.done $0x0  }
0x6a: {  	s29 =	sshrl.u32 s9, $0x3;
	[sflag:s20] =	ssyncadd.s32 $0xFFFFF800  }
0x6b: {  	[hbm:s15], [sflag:s23] =	dma.local [spmem:s29], $0x800  }
0x6c: {  	_ =	swait.ge [sflag:s20], $0x800  }
0x6d: {  	[sflag:s20] =	ssyncset.done $0x0  }
0x6e: {  	s30 =	sshrl.u32 s10, $0x3;
	[sflag:s20] =	ssyncadd.s32 $0xFFFFF800  }
0x6f: {  	[hbm:s16], [sflag:s23] =	dma.local [spmem:s30], $0x800  }
0x70: {  	s4 =	sadd.s32 $0x1, s4;
	_ =	swait.ge [sflag:s20], $0x800  }
0x71: {  	p1 =	sne.s32 s4, s18;
	[sflag:s20] =	ssyncset.done $0x0  }
.Ltmp3:
0x72: {  	s31 =	sshrl.u32 s11, $0x3;
	[sflag:s20] =	ssyncadd.s32 $0xFFFFF800;
	(pc) =	sbr.rel @p1 .LBB2_1-.Ltmp3, $4  }
0x73: {  	[hbm:s17], [sflag:s23] =	dma.local [spmem:s31], $0x800  }
0x74: {  	_ =	swait.ge [sflag:s20], $0x800  }
0x75: {  	[sflag:s20] =	ssyncset.done $0x0  }
0x76: {  	[sflag:s20] =	ssyncadd.s32 $0xFFFFF800  }
0x77: {  	_ =	sfence.sel $0x180000  }
0x78: {  	[bflag:$0x0] =	sbarrier.arrive $0xFFFF  }
0x79: {  	p0 =	sne.s32 s3, $0x0;
	_ =	strace $0x9000004A  }
0x7a: {  	s0 =	sadd.s32 @!p0 $0x100000, s0;
	[bflag:$0x2] =	sbarrier.arrive $0xFFFF  }
0x7b: {  	[sflag:s0] =	ssyncadd.tile.s32 @!p0 $0x1;
	_ =	shalt  }
.Lfunc_end2:
_tile_overlayer_lowered:
.L_overlay_start_2:
0x7c: {  	(tag) =	ssettag $0x2  }
0x7d: {  	s0 =	rddreg [dreg:$0x0];
	s2 =	stileid.u32  }
0x7e: {  	s1 =	rddreg [dreg:$0x1];
	p0 =	sne.s32 s2, $0x0  }
0x7f: {  	s3 =	rddreg [dreg:$0x2];
	[bflag:$0x3] =	sbarrier.arrive $0xFFFF;
	s2 =	simm.s32 @!p0 $0x1C01  }
0x80: {  	[timem:s3], [sflag:s2] =	dma.local @!p0 [hbm:s0], s1  }
0x81: {  	s0 =	simm.s32 @!p0 $0x1  }
0x82: {  	_ =	swait.ge @!p0 [sflag:s0], s1  }
0x83: {  	s1 =	ssub.s32 @!p0 $0x0, s1;
	[sflag:s0] =	ssyncset.done @!p0 $0x0  }
0x84: {  	[sflag:s0] =	ssyncadd.s32 @!p0 s1  }
0x85: {  	[bflag:$0x3] =	sbarrier.arrive $0xFFFF  }
0x86: {  	_ =	shalt  }

// kernel: kernel.14.cloned.1.call-start
scs
__scs_entry_jumppad:
0x0: {  	(pc) =	sbr.rel $0x88, $3  }
0x1: {  	(tag) =	ssettag $0x0;
	lr =	simm.s32 $0x1  }
0x2: {  	[smem:$0x3F9B] =	sst lr;
	_ =	strace $0xD0000000  }
0x3: {  	_ = 	snop  }
0x4: {  	_ = 	snop  }
0x5: {  	_ = 	snop  }
0x6: {  	_ = 	snop  }
0x7: {  	_ = 	snop  }
__scs_overlays_trampoline_lowered:
0x8: {  	[smem:$0x3FAA] =	sst s0  }
0x9: {  	[smem:$0x3FAB] =	sst s1  }
0xa: {  	[smem:$0x3FAC] =	sst s2  }
0xb: {  	[smem:$0x3FAD] =	sst s3  }
0xc: {  	[smem:$0x3FAE] =	sst s4  }
0xd: {  	[smem:$0x3FAF] =	sst s5  }
0xe: {  	[smem:$0x3FB0] =	sst s6  }
0xf: {  	[smem:$0x3FB1] =	sst s7  }
0x10: {  	[smem:$0x3FB2] =	sst s8  }
0x11: {  	[smem:$0x3FB3] =	sst s9;
	s0 =	simm.s32 @!p0 $0x0  }
0x12: {  	s1 =	sld [smem:$0x3F99];
	s0 =	simm.s32 @p0 $0x1  }
0x13: {  	[smem:$0x3FB4] =	sst s0;
	s0 =	simm.s32 @!p1 $0x0  }
0x14: {  	s2 =	sld [smem:$0x3F98];
	s0 =	simm.s32 @p1 $0x1  }
0x15: {  	[smem:$0x3FB5] =	sst s0;
	s0 =	simm.s32 @!p2 $0x0  }
0x16: {  	s3 =	sld [smem:$0x3FDB];
	s0 =	simm.s32 @p2 $0x1  }
0x17: {  	s4 =	simm.s32 $0x1BF5;
	[smem:$0x3FB7] =	sst s0  }
0x18: {  	s0 =	sld [smem:$0x3F9A];
	_ =	swait.ge [sflag:s4], $0x0  }
0x19: {  	s7 =	sld [smem:$0x3F9B]  }
0x1a: {  	s8 =	sadd.s32 $0xFFFFE003, lr  }
0x1b: {  	s9 =	sadd.s32 $0xFFFFFEF7, lr;
	s5 =	simm.s32 $0xFFFFFFFF;
	p2 =	slt.u32 s8, $0xFFFFF086  }
0x1c: {  	p1 =	slt.u32 s9, $0xF7A;
	s5 =	simm.s32 @!p2 $0x0  }
0x1d: {  	s5 =	simm.s32 @p1 $0x1;
	p0 =	seq.s32 s7, s2  }
0x1e: {  	s7 =	smul.u32 @!p0 $0xF7A, s2;
	p2 =	seq.s32 @!p0 s5, $0x0  }
0x1f: {  	s9 =	smul.u32 $0xF7A, s1;
	s8 =	simm.s32 @!p0 $0x1BF5;
	p2 =	por !p2, p0  }
0x20: {  	[sflag:s8] =	ssyncset.s32 @!p0 $0xFFFFF086;
	s6 =	sadd.s32 @!p0 s3, s7;
	s7 =	simm.s32 @!p0 $0x108  }
0x21: {  	s3 =	sadd.s32 s3, s9;
	s6 =	sadd.s32 @!p0 $0x88, s6;
	s7 =	simm.s32 @p2 $0x1082  }
0x22: {  	[simem:s7], [sflag:s8] =	dma.local @!p0 [hbm:s6], $0xF7A  }
0x23: {  	s9 =	sor.u32 $0xD0000000, s2;
	s6 =	simm.s32 $0x108;
	_ =	swait.ge @!p0 [sflag:s8], $0x0  }
0x24: {  	s3 =	sadd.s32 $0x88, s3;
	s6 =	simm.s32 @!p1 $0x1082;
	[sflag:s4] =	ssyncset.s32 $0xFFFFF086  }
0x25: {  	[simem:s6], [sflag:s4] =	dma.local [hbm:s3], $0xF7A  }
0x26: {  	[smem:$0x3F9B] =	sst s1;
	(tag) =	ssettag s2;
	_ =	strace s9  }
0x27: {  	s1 =	sld [smem:$0x3FAB]  }
0x28: {  	s2 =	sld [smem:$0x3FAC]  }
0x29: {  	s4 =	sld [smem:$0x3FAE]  }
0x2a: {  	p0 =	seq.s32 s5, $0x0;
	s5 =	sld [smem:$0x3FAF]  }
0x2b: {  	s6 =	sld [smem:$0x3FB0]  }
0x2c: {  	s7 =	sld [smem:$0x3FB1]  }
0x2d: {  	s3 =	simm.s32 $0x108;
	s8 =	sld [smem:$0x3FB2]  }
0x2e: {  	s3 =	simm.s32 @!p0 $0x1082;
	s9 =	sld [smem:$0x3FB3]  }
0x2f: {  	lr =	sadd.s32 s0, s3;
	s0 =	sld [smem:$0x3FAA]  }
0x30: {  	s3 =	sld [smem:$0x3FAD]  }
0x31: {  	[smem:$0x3FB6] =	sst s10  }
0x32: {  	s10 =	sld [smem:$0x3FB4];
	_ =	sdelay $0x3  }
0x33: {  	p0 =	seq.s32 s10, $0x1;
	s10 =	sld [smem:$0x3FB6];
	_ =	sdelay $0x3  }
0x34: {  	[smem:$0x3FB6] =	sst s10  }
0x35: {  	s10 =	sld [smem:$0x3FB5];
	_ =	sdelay $0x3  }
0x36: {  	p1 =	seq.s32 s10, $0x1;
	s10 =	sld [smem:$0x3FB6];
	_ =	sdelay $0x3  }
0x37: {  	[smem:$0x3FB6] =	sst s10  }
0x38: {  	s10 =	sld [smem:$0x3FB7]  }
0x39: {  	_ = 	snop;
	(pc) =	sbr.ind lr, $3  }
0x3a: {  	_ = 	snop  }
0x3b: {  	_ = 	snop  }
0x3c: {  	p2 =	seq.s32 s10, $0x1;
	s10 =	sld [smem:$0x3FB6]  }
0x3d: {  	_ =	shalt  }
0x3e: {  	_ =	shalt  }
0x3f: {  	_ =	shalt  }
0x40: {  	_ =	shalt  }
0x41: {  	_ =	shalt  }
0x42: {  	_ =	shalt  }
0x43: {  	_ =	shalt  }
0x44: {  	_ =	shalt  }
0x45: {  	_ =	shalt  }
0x46: {  	_ =	shalt  }
0x47: {  	_ =	shalt  }
0x48: {  	_ =	shalt  }
0x49: {  	_ =	shalt  }
0x4a: {  	_ =	shalt  }
0x4b: {  	_ =	shalt  }
0x4c: {  	_ =	shalt  }
0x4d: {  	_ =	shalt  }
0x4e: {  	_ =	shalt  }
0x4f: {  	_ =	shalt  }
0x50: {  	_ =	shalt  }
0x51: {  	_ =	shalt  }
0x52: {  	_ =	shalt  }
0x53: {  	_ =	shalt  }
0x54: {  	_ =	shalt  }
0x55: {  	_ =	shalt  }
0x56: {  	_ =	shalt  }
0x57: {  	_ =	shalt  }
0x58: {  	_ =	shalt  }
0x59: {  	_ =	shalt  }
0x5a: {  	_ =	shalt  }
0x5b: {  	_ =	shalt  }
0x5c: {  	_ =	shalt  }
0x5d: {  	_ =	shalt  }
0x5e: {  	_ =	shalt  }
0x5f: {  	_ =	shalt  }
0x60: {  	_ =	shalt  }
0x61: {  	_ =	shalt  }
0x62: {  	_ =	shalt  }
0x63: {  	_ =	shalt  }
0x64: {  	_ =	shalt  }
0x65: {  	_ =	shalt  }
0x66: {  	_ =	shalt  }
0x67: {  	_ =	shalt  }
0x68: {  	_ =	shalt  }
0x69: {  	_ =	shalt  }
0x6a: {  	_ =	shalt  }
0x6b: {  	_ =	shalt  }
0x6c: {  	_ =	shalt  }
0x6d: {  	_ =	shalt  }
0x6e: {  	_ =	shalt  }
0x6f: {  	_ =	shalt  }
0x70: {  	_ =	shalt  }
0x71: {  	_ =	shalt  }
0x72: {  	_ =	shalt  }
0x73: {  	_ =	shalt  }
0x74: {  	_ =	shalt  }
0x75: {  	_ =	shalt  }
0x76: {  	_ =	shalt  }
0x77: {  	_ =	shalt  }
0x78: {  	_ =	shalt  }
0x79: {  	_ =	shalt  }
0x7a: {  	_ =	shalt  }
0x7b: {  	_ =	shalt  }
0x7c: {  	_ =	shalt  }
0x7d: {  	_ =	shalt  }
0x7e: {  	_ =	shalt  }
0x7f: {  	_ =	shalt  }
0x80: {  	_ =	shalt  }
0x81: {  	_ =	shalt  }
0x82: {  	_ =	shalt  }
0x83: {  	_ =	shalt  }
0x84: {  	_ =	shalt  }
0x85: {  	_ =	shalt  }
0x86: {  	_ =	shalt  }
0x87: {  	_ =	shalt  }
.Lfunc_end0:
.L_simem_size_0:
called_computation.2_lowered:
.L_overlay_start_0:
0x88: {  	s2 =	sld [smem:$0x3FD9]  }
0x89: {  	s3 =	sld [smem:$0x3FFE];
	_ =	sdelay $0x1  }
0x8a: {  	s1 =	srdreg.scid  }
0x8b: {  	s0 =	sand.u32 $0x1, s1  }
0x8c: {  	s17 =	sshll.u32 s0, $0xA;
	s2 =	sadd.s32 s3, s2  }
0x8d: {  	s2 =	sadd.s32 s2, s17  }
0x8e: {  	[smem:$0x3FC2] =	sst s2  }
0x8f: {  	_ = 	snop  }
0x90: {  	s2 =	sld [smem:$0x3FD0];
	(tm) =	ssettm $0x1  }
0x91: {  	s18 =	sld [smem:$0x3FFB];
	_ =	sdelay $0x3  }
0x92: {  	_ =	strace s18  }
0x93: {  	s3 =	sld [smem:$0x3FFC];
	_ =	sdelay $0x3  }
0x94: {  	_ =	strace s3  }
0x95: {  	s3 =	sld [smem:$0x3FFD];
	_ =	sdelay $0x3  }
0x96: {  	_ =	strace s3  }
0x97: {  	_ =	strace $0x8FFFFFFF  }
0x98: {  	s19 =	sld [smem:$0x3FDB];
	_ =	sdelay $0x1  }
0x99: {  	s4 =	simm.s32 $_scs_section_size  }
0x9a: {  	s5 =	simm.s32 $_size__tile_overlayer_lowered;
	s6 =	simm.s32 $_tile_overlayer_lowered  }
0x9b: {  	s22 =	simm.s32 $0x1BFF;
	s21 =	sshll.u32 s6, $0x1;
	s3 =	sadd.s32 s4, s19  }
0x9c: {  	s7 =	simm.s32 $0x0;
	s20 =	sshll.u32 s5, $0x1;
	s5 =	sadd.s32 s21, s3  }
0x9d: {  	[timem:s7], [sflag:s22] =	dma.local [hbm:s5], s20  }
0x9e: {  	_ =	swait.ge [sflag:s22], s20  }
0x9f: {  	s4 =	ssub.s32 $0x0, s20;
	[sflag:s22] =	ssyncset.done $0x0  }
0xa0: {  	[sflag:s22] =	ssyncadd.s32 s4;
	_ =	sdelay $0x1  }
0xa1: {  	s23 =	simm.s32 $0x1B8B  }
0xa2: {  	_ =	swait.ge [sflag:s23], $0x1  }
0xa3: {  	[sflag:s23] =	ssyncset.done $0x0  }
0xa4: {  	s25 =	simm.s32 $0x1B8E;
	s24 =	sld [smem:$0x3FFE];
	[sflag:s23] =	ssyncadd.s32 $0xFFFFFFFF  }
0xa5: {  	s26 =	simm.s32 $execute0_lowered;
	[smem:$0x3FD2] =	sst s25  }
0xa6: {  	s5 =	sshll.u32 s26, $0x1;
	_ =	strace $0x8000004C;
	[dreg:$0x1] =	wrdreg $0xFFFFFFFF  }
0xa7: {  	s28 =	simm.s32 $_size_execute0_lowered;
	s3 =	sadd.s32 s3, s5;
	[dreg:$0x0] =	wrdreg $0x0  }
0xa8: {  	s5 =	sshll.u32 s28, $0x1;
	[dreg:$0x2] =	wrdreg s3  }
0xa9: {  	[dreg:$0x3] =	wrdreg s5  }
0xaa: {  	[dreg:$0x4] =	wrdreg $0xC0  }
0xab: {  	_ =	task [dreg:s7], $0x5FFFF  }
0xac: {  	[dreg:$0x1] =	wrdreg $0xFFFFFFFF  }
0xad: {  	[dreg:$0x0] =	wrdreg $0x60  }
0xae: {  	[dreg:$0x2] =	wrdreg s24  }
0xaf: {  	[dreg:$0x3] =	wrdreg s2  }
0xb0: {  	[dreg:$0x4] =	wrdreg $0x50000  }
0xb1: {  	[dreg:$0x5] =	wrdreg $0x9  }
0xb2: {  	_ =	task.clear_ibuf [dreg:s7], $0x6FFFF;
	_ =	strace $0x9000004C  }
0xb3: {  	s29 =	simm.s32 $0x9;
	_ =	strace $0x8000004E  }
0xb4: {  	_ =	swait.ge [sflag:s29], $0x1  }
0xb5: {  	[sflag:s29] =	ssyncadd.s32 $0xFFFFFFFF  }
0xb6: {  	_ =	strace $0x9000004E  }
0xb7: {  	_ =	sfence  }
0xb8: {  	s30 =	sld [smem:$0x0];
	_ =	sdelay $0x2  }
0xb9: {  	s31 =	sshll.u32 s1, $0xD;
	s1 =	sshrl.u32 s1, $0x2  }
0xba: {  	s3 =	sand.u32 $0x4000, s31;
	s1 =	sadd.s32 s1, s30  }
0xbb: {  	s0 =	sor.u32 s3, s0;
	s1 =	sshll.u32 s1, $0x11  }
0xbc: {  	s0 =	sor.u32 s1, s0  }
0xbd: {  	s0 =	sadd.s32 $0x8F2B, s0  }
0xbe: {  	[sflag:s0] =	ssyncadd.remote.s32 $0x1  }
0xbf: {  	_ =	sfence.sel $0xFFFF  }
0xc0: {  	[dreg:$0x0] =	wrdreg $0xFFFFFFFF;
	(pc) =	sbr.abs _section_cstart, $3  }
0xc1: {  	[dreg:$0x1] =	wrdreg $0xFFFFFFFF  }
0xc2: {  	_ =	task.clear_ibuf [dreg:s7], $0x2FFFF;
	_ =	strace $0x9FFFFFFF  }
0xc3: {  	(tm) =	ssettm $0x7FFFFFFF  }
tec
execute0_lowered:
.L_overlay_start_1:
0x0: {  	(tag) =	ssettag $0x1  }
0x1: {  	s7 =	rddreg [dreg:$0x0]  }
0x2: {  	s1 =	rddreg [dreg:$0x1]  }
0x3: {  	s2 =	rddreg [dreg:$0x2]  }
0x4: {  	s0 =	rddreg [dreg:$0x3];
	s4 =	simm.s32 $0x0;
	s5 =	srdreg.scid  }
0x5: {  	s3 =	stileid.u32;
	[smem:$0x7FF] =	sst s4  }
0x6: {  	s23 =	sand.u32 $0x1, s5;
	s8 =	smul.u32 $0x50000, s3;
	s5 =	sadd.s32 $0xC000, s7  }
0x7: {  	s12 =	smul.u32 $0x14000, s3;
	s6 =	sadd.s32 $0x2000, s7;
	s17 =	sadd.s32 $0x16000, s7  }
0x8: {  	s14 =	smul.u32 $0x90, s3;
	s21 =	sshll.u32 s3, $0x4;
	_ =	strace $0x8000004D  }
0x9: {  	s9 =	ssub.s32 $0x2, s23;
	s20 =	smul.u32 $0x140000, s23;
	p0 =	seq.s32 s23, $0x0  }
0xa: {  	s21 =	sor.u32 $0x900, s21;
	s29 =	sshrl.u32 s9, $0x1;
	s30 =	sshrl.u32 s8, $0x2  }
0xb: {  	s13 =	sadd.s32 $0x4000, s12;
	s15 =	sadd.s32 $0x8000, s12;
	s16 =	sadd.s32 $0xC000, s12  }
0xc: {  	s19 =	sadd.s32 $0x10000, s12;
	s21 =	smov.u32 @p0 s14;
	p0 =	sne.s32 s23, $0x0  }
0xd: {  	s18 =	ssub.s32 s9, s29;
	s7 =	sadd.s32 s30, s2;
	s8 =	sadd.s32 s13, s2  }
0xe: {  	s9 =	sadd.s32 s15, s2;
	s10 =	sadd.s32 s16, s2;
	s11 =	sadd.s32 s19, s2  }
0xf: {  	s12 =	sadd.s32 s12, s20;
	s13 =	sadd.s32 s20, s13;
	s15 =	sadd.s32 s20, s15  }
0x10: {  	s16 =	sadd.s32 s20, s16;
	s19 =	sadd.s32 s20, s19;
	s20 =	simm.s32 $0x1  }
0x11: {  	s31 =	sshrl.u32 s12, $0x3;
	s22 =	sshrl.u32 s13, $0x3;
	s12 =	sshll.u32 s21, $0x7  }
0x12: {  	s15 =	sshrl.u32 s15, $0x3;
	s16 =	sshrl.u32 s16, $0x3;
	s19 =	sshrl.u32 s19, $0x3  }
0x13: {  	s18 =	smax.u32 s18, $0x1;
	s21 =	simm.s32 $0x800;
	s13 =	sadd.s32 s17, s31  }
0x14: {  	s14 =	sadd.s32 s17, s22;
	s15 =	sadd.s32 s17, s15;
	s16 =	sadd.s32 s17, s16  }
0x15: {  	v0 =	vimm.f32 $0.0e+00;
	s17 =	sadd.s32 s17, s19;
	s19 =	simm.s32 $0x1000;
	s22 =	simm.s32 $0x80  }
.LBB2_1:
0x16: {  	s23 =	simm.s32 $0x0;
	s24 =	simm.s32 $0x200  }
.LBB2_2:
0x17: {  	p1 =	sne.s32 s24, $0xFE00;
	[tilespmem:s23+$0x1070] =	vst v0  }
0x18: {  	[tilespmem:s23+$0x1000] =	vst v0  }
0x19: {  	[tilespmem:s23+$0x1010] =	vst v0  }
.Ltmp0:
0x1a: {  	[tilespmem:s23+$0x1020] =	vst v0;
	(pc) =	sbr.rel @p1 .LBB2_2-.Ltmp0, $4  }
0x1b: {  	[tilespmem:s23+$0x1030] =	vst v0  }
0x1c: {  	[tilespmem:s23+$0x1040] =	vst v0  }
0x1d: {  	[tilespmem:s23+$0x1050] =	vst v0  }
0x1e: {  	[tilespmem:s23+$0x1060] =	vst v0;
	s23 =	sshra.s32 s24, $0x2;
	s24 =	sadd.s32 $0x200, s24  }
0x1f: {  	[tilespmem:s23+$0x1070] =	vst v0  }
0x20: {  	[tilespmem:s23+$0x1000] =	vst v0  }
0x21: {  	[tilespmem:s23+$0x1010] =	vst v0  }
0x22: {  	[tilespmem:s23+$0x1020] =	vst v0  }
0x23: {  	[tilespmem:s23+$0x1030] =	vst v0  }
0x24: {  	[tilespmem:s23+$0x1040] =	vst v0  }
0x25: {  	[tilespmem:s23+$0x1050] =	vst v0  }
0x26: {  	[tilespmem:s23+$0x1060] =	vst v0  }
0x27: {  	[spmem:s7] =	stream.linear.scatter [tilespmem:s19], [sflag:$0x1], $0x4000, $0x38;
	[tilespmem:$0x19000] =	vst v63  }
0x28: {  	_ =	swait.ge [sflag:s20], $0x4000  }
0x29: {  	[sflag:s20] =	ssyncset.done $0x0  }
0x2a: {  	[sflag:s20] =	ssyncadd.s32 $0xFFFFC000  }
0x2b: {  	[spmem:s8] =	stream.linear.scatter [tilespmem:s19], [sflag:$0x1], $0x4000, $0x38;
	[tilespmem:$0x19000] =	vst v63  }
0x2c: {  	_ =	swait.ge [sflag:s20], $0x4000  }
0x2d: {  	[sflag:s20] =	ssyncset.done $0x0  }
0x2e: {  	[sflag:s20] =	ssyncadd.s32 $0xFFFFC000  }
0x2f: {  	[spmem:s9] =	stream.linear.scatter [tilespmem:s19], [sflag:$0x1], $0x4000, $0x38;
	[tilespmem:$0x19000] =	vst v63  }
0x30: {  	_ =	swait.ge [sflag:s20], $0x4000  }
0x31: {  	[sflag:s20] =	ssyncset.done $0x0  }
0x32: {  	[sflag:s20] =	ssyncadd.s32 $0xFFFFC000  }
0x33: {  	[spmem:s10] =	stream.linear.scatter [tilespmem:s19], [sflag:$0x1], $0x4000, $0x38;
	[tilespmem:$0x19000] =	vst v63  }
0x34: {  	_ =	swait.ge [sflag:s20], $0x4000  }
0x35: {  	[sflag:s20] =	ssyncset.done $0x0  }
0x36: {  	[sflag:s20] =	ssyncadd.s32 $0xFFFFC000  }
0x37: {  	[spmem:s11] =	stream.linear.scatter [tilespmem:s19], [sflag:$0x1], $0x4000, $0x38;
	[tilespmem:$0x19000] =	vst v63  }
0x38: {  	_ =	swait.ge [sflag:s20], $0x4000  }
0x39: {  	[sflag:s20] =	ssyncset.done $0x0  }
0x3a: {  	[sflag:s20] =	ssyncadd.s32 $0xFFFFC000  }
0x3b: {  	s23 =	simm.s32 $0x0;
	s24 =	simm.s32 $0x0;
	[bflag:$0x0] =	sbarrier.arrive $0xFFFF  }
.LBB2_4:
0x3c: {  	s25 =	sshll.u32 s24, $0xB  }
0x3d: {  	s25 =	sadd.s32 s12, s25  }
0x3e: {  	s25 =	sshrl.u32 s25, $0x3  }
0x3f: {  	s26 =	sadd.s32 s5, s25  }
0x40: {  	[tilespmem:s23], [sflag:$0x1] =	stream.linear.gather [hbm4b:s26+s23], $0x800, $0x38;
	[tilespmem:$0x19000] =	vst v63  }
0x41: {  	_ =	swait.ge [sflag:s20], $0x800  }
0x42: {  	[sflag:s20] =	ssyncset.done $0x0  }
0x43: {  	s25 =	sadd.s32 s6, s25;
	[sflag:s20] =	ssyncadd.s32 $0xFFFFF800  }
0x44: {  	[tilespmem:s21], [sflag:$0x1] =	stream.linear.gather [hbm4b:s25+s23], $0x800, $0x38;
	[tilespmem:$0x19000] =	vst v63  }
0x45: {  	_ =	swait.ge [sflag:s20], $0x800  }
0x46: {  	[sflag:s20] =	ssyncset.done $0x0  }
0x47: {  	s30 =	simm.s32 $0x0;
	[sflag:s20] =	ssyncadd.s32 $0xFFFFF800  }
0x48: {  	[tilespmem:s19], [sflag:$0x1] =	stream.indirect.gather [hbm4b:s1+s22], $0x80, s30, s22, $0xb8;
	[tilespmem:$0x19000] =	vst v63  }
0x49: {  	_ =	swait.ge [sflag:s20], $0x4000  }
0x4a: {  	[sflag:s20] =	ssyncset.done $0x0  }
0x4b: {  	s31 =	simm.s32 $0x800;
	[sflag:s20] =	ssyncadd.s32 $0xFFFFC000  }
0x4c: {  	[spmem:s2] =	stream.indirect.scatter.add.f32 [tilespmem:s19], [sflag:$0x1], $0x80, s31, s22, $0xb8;
	[tilespmem:$0x19000] =	vst v63  }
0x4d: {  	_ =	swait.ge [sflag:s20], $0x4000  }
0x4e: {  	s26 =	simm.s32 $0x400;
	s25 =	simm.s32 $0x200;
	[sflag:s20] =	ssyncset.done $0x0  }
.LBB2_5:
0x4f: {  	s28 =	sshra.s32 s25, $0x2  }
0x50: {  	[sflag:s20] =	ssyncadd.s32 $0xFFFFC000;
	s25 =	smov.u32 s26;
	s29 =	sadd.s32 $0x200, s26  }
0x51: {  	[tilespmem:s19], [sflag:$0x1] =	stream.indirect.gather [hbm4b:s1+s22], $0x80, s28, s22, $0xb8;
	[tilespmem:$0x19000] =	vst v63  }
0x52: {  	p1 =	sne.s32 s26, $0x1E00;
	_ =	swait.ge [sflag:s20], $0x4000  }
.Ltmp1:
0x53: {  	[sflag:s20] =	ssyncset.done $0x0;
	(pc) =	sbr.rel @p1 .LBB2_5-.Ltmp1, $4  }
0x54: {  	s26 =	sadd.s32 $0x800, s28;
	[sflag:s20] =	ssyncadd.s32 $0xFFFFC000  }
0x55: {  	[spmem:s2] =	stream.indirect.scatter.add.f32 [tilespmem:s19], [sflag:$0x1], $0x80, s26, s22, $0xb8;
	[tilespmem:$0x19000] =	vst v63  }
0x56: {  	_ =	swait.ge [sflag:s20], $0x4000  }
0x57: {  	s26 =	smov.u32 s29;
	[sflag:s20] =	ssyncset.done $0x0  }
0x58: {  	s25 =	sshra.s32 s25, $0x2;
	[sflag:s20] =	ssyncadd.s32 $0xFFFFC000  }
0x59: {  	[tilespmem:s19], [sflag:$0x1] =	stream.indirect.gather [hbm4b:s1+s22], $0x80, s25, s22, $0xb8;
	[tilespmem:$0x19000] =	vst v63  }
0x5a: {  	p1 =	slt.u32 @!p0 s24, $0x8;
	_ =	swait.ge [sflag:s20], $0x4000  }
0x5b: {  	p1 =	por p0, !p1;
	[sflag:s20] =	ssyncset.done $0x0  }
.Ltmp2:
0x5c: {  	s25 =	sadd.s32 $0x800, s25;
	[sflag:s20] =	ssyncadd.s32 $0xFFFFC000;
	(pc) =	sbr.rel @!p1 .LBB2_4-.Ltmp2, $4  }
0x5d: {  	[spmem:s2] =	stream.indirect.scatter.add.f32 [tilespmem:s19], [sflag:$0x1], $0x80, s25, s22, $0xb8;
	[tilespmem:$0x19000] =	vst v63  }
0x5e: {  	_ =	swait.ge [sflag:s20], $0x4000  }
0x5f: {  	[sflag:s20] =	ssyncset.done $0x0  }
0x60: {  	s24 =	sadd.s32 $0x1, s24;
	[sflag:s20] =	ssyncadd.s32 $0xFFFFC000  }
0x61: {  	s23 =	sshll.u32 s3, $0x6  }
0x62: {  	[bflag:$0x0] =	sbarrier.arrive $0xFFFF;
	s24 =	sshrl.u32 s7, $0x3;
	s23 =	sor.u32 $0x1C01, s23  }
0x63: {  	[hbm:s13], [sflag:s23] =	dma.local [spmem:s24], $0x800  }
0x64: {  	_ =	swait.ge [sflag:s20], $0x800  }
0x65: {  	[sflag:s20] =	ssyncset.done $0x0  }
0x66: {  	s28 =	sshrl.u32 s8, $0x3;
	[sflag:s20] =	ssyncadd.s32 $0xFFFFF800  }
0x67: {  	[hbm:s14], [sflag:s23] =	dma.local [spmem:s28], $0x800  }
0x68: {  	_ =	swait.ge [sflag:s20], $0x800  }
0x69: {  	[sflag:s20] =	ssyncset.done $0x0  }
0x6a: {  	s29 =	sshrl.u32 s9, $0x3;
	[sflag:s20] =	ssyncadd.s32 $0xFFFFF800  }
0x6b: {  	[hbm:s15], [sflag:s23] =	dma.local [spmem:s29], $0x800  }
0x6c: {  	_ =	swait.ge [sflag:s20], $0x800  }
0x6d: {  	[sflag:s20] =	ssyncset.done $0x0  }
0x6e: {  	s30 =	sshrl.u32 s10, $0x3;
	[sflag:s20] =	ssyncadd.s32 $0xFFFFF800  }
0x6f: {  	[hbm:s16], [sflag:s23] =	dma.local [spmem:s30], $0x800  }
0x70: {  	s4 =	sadd.s32 $0x1, s4;
	_ =	swait.ge [sflag:s20], $0x800  }
0x71: {  	p1 =	sne.s32 s4, s18;
	[sflag:s20] =	ssyncset.done $0x0  }
.Ltmp3:
0x72: {  	s31 =	sshrl.u32 s11, $0x3;
	[sflag:s20] =	ssyncadd.s32 $0xFFFFF800;
	(pc) =	sbr.rel @p1 .LBB2_1-.Ltmp3, $4  }
0x73: {  	[hbm:s17], [sflag:s23] =	dma.local [spmem:s31], $0x800  }
0x74: {  	_ =	swait.ge [sflag:s20], $0x800  }
0x75: {  	[sflag:s20] =	ssyncset.done $0x0  }
0x76: {  	[sflag:s20] =	ssyncadd.s32 $0xFFFFF800  }
0x77: {  	_ =	sfence.sel $0x180000  }
0x78: {  	[bflag:$0x0] =	sbarrier.arrive $0xFFFF  }
0x79: {  	p0 =	sne.s32 s3, $0x0;
	_ =	strace $0x9000004D  }
0x7a: {  	s0 =	sadd.s32 @!p0 $0x100000, s0;
	[bflag:$0x2] =	sbarrier.arrive $0xFFFF  }
0x7b: {  	[sflag:s0] =	ssyncadd.tile.s32 @!p0 $0x1;
	_ =	shalt  }
.Lfunc_end2:
_tile_overlayer_lowered:
.L_overlay_start_2:
0x7c: {  	(tag) =	ssettag $0x2  }
0x7d: {  	s0 =	rddreg [dreg:$0x0];
	s2 =	stileid.u32  }
0x7e: {  	s1 =	rddreg [dreg:$0x1];
	p0 =	sne.s32 s2, $0x0  }
0x7f: {  	s3 =	rddreg [dreg:$0x2];
	[bflag:$0x3] =	sbarrier.arrive $0xFFFF;
	s2 =	simm.s32 @!p0 $0x1C01  }
0x80: {  	[timem:s3], [sflag:s2] =	dma.local @!p0 [hbm:s0], s1  }
0x81: {  	s0 =	simm.s32 @!p0 $0x1  }
0x82: {  	_ =	swait.ge @!p0 [sflag:s0], s1  }
0x83: {  	s1 =	ssub.s32 @!p0 $0x0, s1;
	[sflag:s0] =	ssyncset.done @!p0 $0x0  }
0x84: {  	[sflag:s0] =	ssyncadd.s32 @!p0 s1  }
0x85: {  	[bflag:$0x3] =	sbarrier.arrive $0xFFFF  }
0x86: {  	_ =	shalt  }

// kernel: kernel.8.cloned.1.call-start
scs
__scs_entry_jumppad:
0x0: {  	(pc) =	sbr.rel $0x88, $3  }
0x1: {  	(tag) =	ssettag $0x0;
	lr =	simm.s32 $0x1  }
0x2: {  	[smem:$0x3F9B] =	sst lr;
	_ =	strace $0xD0000000  }
0x3: {  	_ = 	snop  }
0x4: {  	_ = 	snop  }
0x5: {  	_ = 	snop  }
0x6: {  	_ = 	snop  }
0x7: {  	_ = 	snop  }
__scs_overlays_trampoline_lowered:
0x8: {  	[smem:$0x3FAA] =	sst s0  }
0x9: {  	[smem:$0x3FAB] =	sst s1  }
0xa: {  	[smem:$0x3FAC] =	sst s2  }
0xb: {  	[smem:$0x3FAD] =	sst s3  }
0xc: {  	[smem:$0x3FAE] =	sst s4  }
0xd: {  	[smem:$0x3FAF] =	sst s5  }
0xe: {  	[smem:$0x3FB0] =	sst s6  }
0xf: {  	[smem:$0x3FB1] =	sst s7  }
0x10: {  	[smem:$0x3FB2] =	sst s8  }
0x11: {  	[smem:$0x3FB3] =	sst s9;
	s0 =	simm.s32 @!p0 $0x0  }
0x12: {  	s1 =	sld [smem:$0x3F99];
	s0 =	simm.s32 @p0 $0x1  }
0x13: {  	[smem:$0x3FB4] =	sst s0;
	s0 =	simm.s32 @!p1 $0x0  }
0x14: {  	s2 =	sld [smem:$0x3F98];
	s0 =	simm.s32 @p1 $0x1  }
0x15: {  	[smem:$0x3FB5] =	sst s0;
	s0 =	simm.s32 @!p2 $0x0  }
0x16: {  	s3 =	sld [smem:$0x3FDB];
	s0 =	simm.s32 @p2 $0x1  }
0x17: {  	s4 =	simm.s32 $0x1BF5;
	[smem:$0x3FB7] =	sst s0  }
0x18: {  	s0 =	sld [smem:$0x3F9A];
	_ =	swait.ge [sflag:s4], $0x0  }
0x19: {  	s7 =	sld [smem:$0x3F9B]  }
0x1a: {  	s8 =	sadd.s32 $0xFFFFE003, lr  }
0x1b: {  	s9 =	sadd.s32 $0xFFFFFEF7, lr;
	s5 =	simm.s32 $0xFFFFFFFF;
	p2 =	slt.u32 s8, $0xFFFFF086  }
0x1c: {  	p1 =	slt.u32 s9, $0xF7A;
	s5 =	simm.s32 @!p2 $0x0  }
0x1d: {  	s5 =	simm.s32 @p1 $0x1;
	p0 =	seq.s32 s7, s2  }
0x1e: {  	s7 =	smul.u32 @!p0 $0xF7A, s2;
	p2 =	seq.s32 @!p0 s5, $0x0  }
0x1f: {  	s9 =	smul.u32 $0xF7A, s1;
	s8 =	simm.s32 @!p0 $0x1BF5;
	p2 =	por !p2, p0  }
0x20: {  	[sflag:s8] =	ssyncset.s32 @!p0 $0xFFFFF086;
	s6 =	sadd.s32 @!p0 s3, s7;
	s7 =	simm.s32 @!p0 $0x108  }
0x21: {  	s3 =	sadd.s32 s3, s9;
	s6 =	sadd.s32 @!p0 $0x88, s6;
	s7 =	simm.s32 @p2 $0x1082  }
0x22: {  	[simem:s7], [sflag:s8] =	dma.local @!p0 [hbm:s6], $0xF7A  }
0x23: {  	s9 =	sor.u32 $0xD0000000, s2;
	s6 =	simm.s32 $0x108;
	_ =	swait.ge @!p0 [sflag:s8], $0x0  }
0x24: {  	s3 =	sadd.s32 $0x88, s3;
	s6 =	simm.s32 @!p1 $0x1082;
	[sflag:s4] =	ssyncset.s32 $0xFFFFF086  }
0x25: {  	[simem:s6], [sflag:s4] =	dma.local [hbm:s3], $0xF7A  }
0x26: {  	[smem:$0x3F9B] =	sst s1;
	(tag) =	ssettag s2;
	_ =	strace s9  }
0x27: {  	s1 =	sld [smem:$0x3FAB]  }
0x28: {  	s2 =	sld [smem:$0x3FAC]  }
0x29: {  	s4 =	sld [smem:$0x3FAE]  }
0x2a: {  	p0 =	seq.s32 s5, $0x0;
	s5 =	sld [smem:$0x3FAF]  }
0x2b: {  	s6 =	sld [smem:$0x3FB0]  }
0x2c: {  	s7 =	sld [smem:$0x3FB1]  }
0x2d: {  	s3 =	simm.s32 $0x108;
	s8 =	sld [smem:$0x3FB2]  }
0x2e: {  	s3 =	simm.s32 @!p0 $0x1082;
	s9 =	sld [smem:$0x3FB3]  }
0x2f: {  	lr =	sadd.s32 s0, s3;
	s0 =	sld [smem:$0x3FAA]  }
0x30: {  	s3 =	sld [smem:$0x3FAD]  }
0x31: {  	[smem:$0x3FB6] =	sst s10  }
0x32: {  	s10 =	sld [smem:$0x3FB4];
	_ =	sdelay $0x3  }
0x33: {  	p0 =	seq.s32 s10, $0x1;
	s10 =	sld [smem:$0x3FB6];
	_ =	sdelay $0x3  }
0x34: {  	[smem:$0x3FB6] =	sst s10  }
0x35: {  	s10 =	sld [smem:$0x3FB5];
	_ =	sdelay $0x3  }
0x36: {  	p1 =	seq.s32 s10, $0x1;
	s10 =	sld [smem:$0x3FB6];
	_ =	sdelay $0x3  }
0x37: {  	[smem:$0x3FB6] =	sst s10  }
0x38: {  	s10 =	sld [smem:$0x3FB7]  }
0x39: {  	_ = 	snop;
	(pc) =	sbr.ind lr, $3  }
0x3a: {  	_ = 	snop  }
0x3b: {  	_ = 	snop  }
0x3c: {  	p2 =	seq.s32 s10, $0x1;
	s10 =	sld [smem:$0x3FB6]  }
0x3d: {  	_ =	shalt  }
0x3e: {  	_ =	shalt  }
0x3f: {  	_ =	shalt  }
0x40: {  	_ =	shalt  }
0x41: {  	_ =	shalt  }
0x42: {  	_ =	shalt  }
0x43: {  	_ =	shalt  }
0x44: {  	_ =	shalt  }
0x45: {  	_ =	shalt  }
0x46: {  	_ =	shalt  }
0x47: {  	_ =	shalt  }
0x48: {  	_ =	shalt  }
0x49: {  	_ =	shalt  }
0x4a: {  	_ =	shalt  }
0x4b: {  	_ =	shalt  }
0x4c: {  	_ =	shalt  }
0x4d: {  	_ =	shalt  }
0x4e: {  	_ =	shalt  }
0x4f: {  	_ =	shalt  }
0x50: {  	_ =	shalt  }
0x51: {  	_ =	shalt  }
0x52: {  	_ =	shalt  }
0x53: {  	_ =	shalt  }
0x54: {  	_ =	shalt  }
0x55: {  	_ =	shalt  }
0x56: {  	_ =	shalt  }
0x57: {  	_ =	shalt  }
0x58: {  	_ =	shalt  }
0x59: {  	_ =	shalt  }
0x5a: {  	_ =	shalt  }
0x5b: {  	_ =	shalt  }
0x5c: {  	_ =	shalt  }
0x5d: {  	_ =	shalt  }
0x5e: {  	_ =	shalt  }
0x5f: {  	_ =	shalt  }
0x60: {  	_ =	shalt  }
0x61: {  	_ =	shalt  }
0x62: {  	_ =	shalt  }
0x63: {  	_ =	shalt  }
0x64: {  	_ =	shalt  }
0x65: {  	_ =	shalt  }
0x66: {  	_ =	shalt  }
0x67: {  	_ =	shalt  }
0x68: {  	_ =	shalt  }
0x69: {  	_ =	shalt  }
0x6a: {  	_ =	shalt  }
0x6b: {  	_ =	shalt  }
0x6c: {  	_ =	shalt  }
0x6d: {  	_ =	shalt  }
0x6e: {  	_ =	shalt  }
0x6f: {  	_ =	shalt  }
0x70: {  	_ =	shalt  }
0x71: {  	_ =	shalt  }
0x72: {  	_ =	shalt  }
0x73: {  	_ =	shalt  }
0x74: {  	_ =	shalt  }
0x75: {  	_ =	shalt  }
0x76: {  	_ =	shalt  }
0x77: {  	_ =	shalt  }
0x78: {  	_ =	shalt  }
0x79: {  	_ =	shalt  }
0x7a: {  	_ =	shalt  }
0x7b: {  	_ =	shalt  }
0x7c: {  	_ =	shalt  }
0x7d: {  	_ =	shalt  }
0x7e: {  	_ =	shalt  }
0x7f: {  	_ =	shalt  }
0x80: {  	_ =	shalt  }
0x81: {  	_ =	shalt  }
0x82: {  	_ =	shalt  }
0x83: {  	_ =	shalt  }
0x84: {  	_ =	shalt  }
0x85: {  	_ =	shalt  }
0x86: {  	_ =	shalt  }
0x87: {  	_ =	shalt  }
.Lfunc_end0:
.L_simem_size_0:
called_computation_lowered:
.L_overlay_start_0:
0x88: {  	s2 =	sld [smem:$0x3FD9]  }
0x89: {  	s3 =	sld [smem:$0x3FFE];
	_ =	sdelay $0x1  }
0x8a: {  	s1 =	srdreg.scid  }
0x8b: {  	s0 =	sand.u32 $0x1, s1  }
0x8c: {  	s17 =	sshll.u32 s0, $0xA;
	s2 =	sadd.s32 s3, s2  }
0x8d: {  	s2 =	sadd.s32 s2, s17  }
0x8e: {  	[smem:$0x3FC2] =	sst s2  }
0x8f: {  	_ = 	snop  }
0x90: {  	s2 =	sld [smem:$0x3FD0];
	(tm) =	ssettm $0x1  }
0x91: {  	s18 =	sld [smem:$0x3FFB];
	_ =	sdelay $0x3  }
0x92: {  	_ =	strace s18  }
0x93: {  	s3 =	sld [smem:$0x3FFC];
	_ =	sdelay $0x3  }
0x94: {  	_ =	strace s3  }
0x95: {  	s3 =	sld [smem:$0x3FFD];
	_ =	sdelay $0x3  }
0x96: {  	_ =	strace s3  }
0x97: {  	_ =	strace $0x8FFFFFFF  }
0x98: {  	s19 =	sld [smem:$0x3FDB];
	_ =	sdelay $0x1  }
0x99: {  	s4 =	simm.s32 $_scs_section_size  }
0x9a: {  	s5 =	simm.s32 $_size__tile_overlayer_lowered;
	s6 =	simm.s32 $_tile_overlayer_lowered  }
0x9b: {  	s22 =	simm.s32 $0x1BFF;
	s21 =	sshll.u32 s6, $0x1;
	s3 =	sadd.s32 s4, s19  }
0x9c: {  	s7 =	simm.s32 $0x0;
	s20 =	sshll.u32 s5, $0x1;
	s5 =	sadd.s32 s21, s3  }
0x9d: {  	[timem:s7], [sflag:s22] =	dma.local [hbm:s5], s20  }
0x9e: {  	_ =	swait.ge [sflag:s22], s20  }
0x9f: {  	s4 =	ssub.s32 $0x0, s20;
	[sflag:s22] =	ssyncset.done $0x0  }
0xa0: {  	[sflag:s22] =	ssyncadd.s32 s4;
	_ =	sdelay $0x1  }
0xa1: {  	s23 =	simm.s32 $0x1B8B  }
0xa2: {  	_ =	swait.ge [sflag:s23], $0x1  }
0xa3: {  	[sflag:s23] =	ssyncset.done $0x0  }
0xa4: {  	s25 =	simm.s32 $0x1B8E;
	s24 =	sld [smem:$0x3FFE];
	[sflag:s23] =	ssyncadd.s32 $0xFFFFFFFF  }
0xa5: {  	s26 =	simm.s32 $execute0_lowered;
	[smem:$0x3FD2] =	sst s25  }
0xa6: {  	s5 =	sshll.u32 s26, $0x1;
	_ =	strace $0x80000046;
	[dreg:$0x1] =	wrdreg $0xFFFFFFFF  }
0xa7: {  	s28 =	simm.s32 $_size_execute0_lowered;
	s3 =	sadd.s32 s3, s5;
	[dreg:$0x0] =	wrdreg $0x0  }
0xa8: {  	s5 =	sshll.u32 s28, $0x1;
	[dreg:$0x2] =	wrdreg s3  }
0xa9: {  	[dreg:$0x3] =	wrdreg s5  }
0xaa: {  	[dreg:$0x4] =	wrdreg $0xC0  }
0xab: {  	_ =	task [dreg:s7], $0x5FFFF  }
0xac: {  	[dreg:$0x1] =	wrdreg $0xFFFFFFFF  }
0xad: {  	[dreg:$0x0] =	wrdreg $0x60  }
0xae: {  	[dreg:$0x2] =	wrdreg s24  }
0xaf: {  	[dreg:$0x3] =	wrdreg s2  }
0xb0: {  	[dreg:$0x4] =	wrdreg $0x50000  }
0xb1: {  	[dreg:$0x5] =	wrdreg $0x9  }
0xb2: {  	_ =	task.clear_ibuf [dreg:s7], $0x6FFFF;
	_ =	strace $0x90000046  }
0xb3: {  	s29 =	simm.s32 $0x9;
	_ =	strace $0x80000048  }
0xb4: {  	_ =	swait.ge [sflag:s29], $0x1  }
0xb5: {  	[sflag:s29] =	ssyncadd.s32 $0xFFFFFFFF  }
0xb6: {  	_ =	strace $0x90000048  }
0xb7: {  	_ =	sfence  }
0xb8: {  	s30 =	sld [smem:$0x0];
	_ =	sdelay $0x2  }
0xb9: {  	s31 =	sshll.u32 s1, $0xD;
	s1 =	sshrl.u32 s1, $0x2  }
0xba: {  	s3 =	sand.u32 $0x4000, s31;
	s1 =	sadd.s32 s1, s30  }
0xbb: {  	s0 =	sor.u32 s3, s0;
	s1 =	sshll.u32 s1, $0x11  }
0xbc: {  	s0 =	sor.u32 s1, s0  }
0xbd: {  	s0 =	sadd.s32 $0x8F2B, s0  }
0xbe: {  	[sflag:s0] =	ssyncadd.remote.s32 $0x1  }
0xbf: {  	_ =	sfence.sel $0xFFFF  }
0xc0: {  	[dreg:$0x0] =	wrdreg $0xFFFFFFFF;
	(pc) =	sbr.abs _section_cstart, $3  }
0xc1: {  	[dreg:$0x1] =	wrdreg $0xFFFFFFFF  }
0xc2: {  	_ =	task.clear_ibuf [dreg:s7], $0x2FFFF;
	_ =	strace $0x9FFFFFFF  }
0xc3: {  	(tm) =	ssettm $0x7FFFFFFF  }
tec
execute0_lowered:
.L_overlay_start_1:
0x0: {  	(tag) =	ssettag $0x1  }
0x1: {  	s7 =	rddreg [dreg:$0x0]  }
0x2: {  	s1 =	rddreg [dreg:$0x1]  }
0x3: {  	s2 =	rddreg [dreg:$0x2]  }
0x4: {  	s0 =	rddreg [dreg:$0x3];
	s4 =	simm.s32 $0x0;
	s5 =	srdreg.scid  }
0x5: {  	s3 =	stileid.u32;
	[smem:$0x7FF] =	sst s4  }
0x6: {  	s23 =	sand.u32 $0x1, s5;
	s8 =	smul.u32 $0x50000, s3;
	s5 =	sadd.s32 $0xC000, s7  }
0x7: {  	s12 =	smul.u32 $0x14000, s3;
	s6 =	sadd.s32 $0x2000, s7;
	s17 =	sadd.s32 $0x16000, s7  }
0x8: {  	s14 =	smul.u32 $0x90, s3;
	s21 =	sshll.u32 s3, $0x4;
	_ =	strace $0x80000047  }
0x9: {  	s9 =	ssub.s32 $0x2, s23;
	s20 =	smul.u32 $0x140000, s23;
	p0 =	seq.s32 s23, $0x0  }
0xa: {  	s21 =	sor.u32 $0x900, s21;
	s29 =	sshrl.u32 s9, $0x1;
	s30 =	sshrl.u32 s8, $0x2  }
0xb: {  	s13 =	sadd.s32 $0x4000, s12;
	s15 =	sadd.s32 $0x8000, s12;
	s16 =	sadd.s32 $0xC000, s12  }
0xc: {  	s19 =	sadd.s32 $0x10000, s12;
	s21 =	smov.u32 @p0 s14;
	p0 =	sne.s32 s23, $0x0  }
0xd: {  	s18 =	ssub.s32 s9, s29;
	s7 =	sadd.s32 s30, s2;
	s8 =	sadd.s32 s13, s2  }
0xe: {  	s9 =	sadd.s32 s15, s2;
	s10 =	sadd.s32 s16, s2;
	s11 =	sadd.s32 s19, s2  }
0xf: {  	s12 =	sadd.s32 s12, s20;
	s13 =	sadd.s32 s20, s13;
	s15 =	sadd.s32 s20, s15  }
0x10: {  	s16 =	sadd.s32 s20, s16;
	s19 =	sadd.s32 s20, s19;
	s20 =	simm.s32 $0x1  }
0x11: {  	s31 =	sshrl.u32 s12, $0x3;
	s22 =	sshrl.u32 s13, $0x3;
	s12 =	sshll.u32 s21, $0x7  }
0x12: {  	s15 =	sshrl.u32 s15, $0x3;
	s16 =	sshrl.u32 s16, $0x3;
	s19 =	sshrl.u32 s19, $0x3  }
0x13: {  	s18 =	smax.u32 s18, $0x1;
	s21 =	simm.s32 $0x800;
	s13 =	sadd.s32 s17, s31  }
0x14: {  	s14 =	sadd.s32 s17, s22;
	s15 =	sadd.s32 s17, s15;
	s16 =	sadd.s32 s17, s16  }
0x15: {  	v0 =	vimm.f32 $0.0e+00;
	s17 =	sadd.s32 s17, s19;
	s19 =	simm.s32 $0x1000;
	s22 =	simm.s32 $0x80  }
.LBB2_1:
0x16: {  	s23 =	simm.s32 $0x0;
	s24 =	simm.s32 $0x200  }
.LBB2_2:
0x17: {  	p1 =	sne.s32 s24, $0xFE00;
	[tilespmem:s23+$0x1070] =	vst v0  }
0x18: {  	[tilespmem:s23+$0x1000] =	vst v0  }
0x19: {  	[tilespmem:s23+$0x1010] =	vst v0  }
.Ltmp0:
0x1a: {  	[tilespmem:s23+$0x1020] =	vst v0;
	(pc) =	sbr.rel @p1 .LBB2_2-.Ltmp0, $4  }
0x1b: {  	[tilespmem:s23+$0x1030] =	vst v0  }
0x1c: {  	[tilespmem:s23+$0x1040] =	vst v0  }
0x1d: {  	[tilespmem:s23+$0x1050] =	vst v0  }
0x1e: {  	[tilespmem:s23+$0x1060] =	vst v0;
	s23 =	sshra.s32 s24, $0x2;
	s24 =	sadd.s32 $0x200, s24  }
0x1f: {  	[tilespmem:s23+$0x1070] =	vst v0  }
0x20: {  	[tilespmem:s23+$0x1000] =	vst v0  }
0x21: {  	[tilespmem:s23+$0x1010] =	vst v0  }
0x22: {  	[tilespmem:s23+$0x1020] =	vst v0  }
0x23: {  	[tilespmem:s23+$0x1030] =	vst v0  }
0x24: {  	[tilespmem:s23+$0x1040] =	vst v0  }
0x25: {  	[tilespmem:s23+$0x1050] =	vst v0  }
0x26: {  	[tilespmem:s23+$0x1060] =	vst v0  }
0x27: {  	[spmem:s7] =	stream.linear.scatter [tilespmem:s19], [sflag:$0x1], $0x4000, $0x38;
	[tilespmem:$0x19000] =	vst v63  }
0x28: {  	_ =	swait.ge [sflag:s20], $0x4000  }
0x29: {  	[sflag:s20] =	ssyncset.done $0x0  }
0x2a: {  	[sflag:s20] =	ssyncadd.s32 $0xFFFFC000  }
0x2b: {  	[spmem:s8] =	stream.linear.scatter [tilespmem:s19], [sflag:$0x1], $0x4000, $0x38;
	[tilespmem:$0x19000] =	vst v63  }
0x2c: {  	_ =	swait.ge [sflag:s20], $0x4000  }
0x2d: {  	[sflag:s20] =	ssyncset.done $0x0  }
0x2e: {  	[sflag:s20] =	ssyncadd.s32 $0xFFFFC000  }
0x2f: {  	[spmem:s9] =	stream.linear.scatter [tilespmem:s19], [sflag:$0x1], $0x4000, $0x38;
	[tilespmem:$0x19000] =	vst v63  }
0x30: {  	_ =	swait.ge [sflag:s20], $0x4000  }
0x31: {  	[sflag:s20] =	ssyncset.done $0x0  }
0x32: {  	[sflag:s20] =	ssyncadd.s32 $0xFFFFC000  }
0x33: {  	[spmem:s10] =	stream.linear.scatter [tilespmem:s19], [sflag:$0x1], $0x4000, $0x38;
	[tilespmem:$0x19000] =	vst v63  }
0x34: {  	_ =	swait.ge [sflag:s20], $0x4000  }
0x35: {  	[sflag:s20] =	ssyncset.done $0x0  }
0x36: {  	[sflag:s20] =	ssyncadd.s32 $0xFFFFC000  }
0x37: {  	[spmem:s11] =	stream.linear.scatter [tilespmem:s19], [sflag:$0x1], $0x4000, $0x38;
	[tilespmem:$0x19000] =	vst v63  }
0x38: {  	_ =	swait.ge [sflag:s20], $0x4000  }
0x39: {  	[sflag:s20] =	ssyncset.done $0x0  }
0x3a: {  	[sflag:s20] =	ssyncadd.s32 $0xFFFFC000  }
0x3b: {  	s23 =	simm.s32 $0x0;
	s24 =	simm.s32 $0x0;
	[bflag:$0x0] =	sbarrier.arrive $0xFFFF  }
.LBB2_4:
0x3c: {  	s25 =	sshll.u32 s24, $0xB  }
0x3d: {  	s25 =	sadd.s32 s12, s25  }
0x3e: {  	s25 =	sshrl.u32 s25, $0x3  }
0x3f: {  	s26 =	sadd.s32 s5, s25  }
0x40: {  	[tilespmem:s23], [sflag:$0x1] =	stream.linear.gather [hbm4b:s26+s23], $0x800, $0x38;
	[tilespmem:$0x19000] =	vst v63  }
0x41: {  	_ =	swait.ge [sflag:s20], $0x800  }
0x42: {  	[sflag:s20] =	ssyncset.done $0x0  }
0x43: {  	s25 =	sadd.s32 s6, s25;
	[sflag:s20] =	ssyncadd.s32 $0xFFFFF800  }
0x44: {  	[tilespmem:s21], [sflag:$0x1] =	stream.linear.gather [hbm4b:s25+s23], $0x800, $0x38;
	[tilespmem:$0x19000] =	vst v63  }
0x45: {  	_ =	swait.ge [sflag:s20], $0x800  }
0x46: {  	[sflag:s20] =	ssyncset.done $0x0  }
0x47: {  	s30 =	simm.s32 $0x0;
	[sflag:s20] =	ssyncadd.s32 $0xFFFFF800  }
0x48: {  	[tilespmem:s19], [sflag:$0x1] =	stream.indirect.gather [hbm4b:s1+s22], $0x80, s30, s22, $0xb8;
	[tilespmem:$0x19000] =	vst v63  }
0x49: {  	_ =	swait.ge [sflag:s20], $0x4000  }
0x4a: {  	[sflag:s20] =	ssyncset.done $0x0  }
0x4b: {  	s31 =	simm.s32 $0x800;
	[sflag:s20] =	ssyncadd.s32 $0xFFFFC000  }
0x4c: {  	[spmem:s2] =	stream.indirect.scatter.add.f32 [tilespmem:s19], [sflag:$0x1], $0x80, s31, s22, $0xb8;
	[tilespmem:$0x19000] =	vst v63  }
0x4d: {  	_ =	swait.ge [sflag:s20], $0x4000  }
0x4e: {  	s26 =	simm.s32 $0x400;
	s25 =	simm.s32 $0x200;
	[sflag:s20] =	ssyncset.done $0x0  }
.LBB2_5:
0x4f: {  	s28 =	sshra.s32 s25, $0x2  }
0x50: {  	[sflag:s20] =	ssyncadd.s32 $0xFFFFC000;
	s25 =	smov.u32 s26;
	s29 =	sadd.s32 $0x200, s26  }
0x51: {  	[tilespmem:s19], [sflag:$0x1] =	stream.indirect.gather [hbm4b:s1+s22], $0x80, s28, s22, $0xb8;
	[tilespmem:$0x19000] =	vst v63  }
0x52: {  	p1 =	sne.s32 s26, $0x1E00;
	_ =	swait.ge [sflag:s20], $0x4000  }
.Ltmp1:
0x53: {  	[sflag:s20] =	ssyncset.done $0x0;
	(pc) =	sbr.rel @p1 .LBB2_5-.Ltmp1, $4  }
0x54: {  	s26 =	sadd.s32 $0x800, s28;
	[sflag:s20] =	ssyncadd.s32 $0xFFFFC000  }
0x55: {  	[spmem:s2] =	stream.indirect.scatter.add.f32 [tilespmem:s19], [sflag:$0x1], $0x80, s26, s22, $0xb8;
	[tilespmem:$0x19000] =	vst v63  }
0x56: {  	_ =	swait.ge [sflag:s20], $0x4000  }
0x57: {  	s26 =	smov.u32 s29;
	[sflag:s20] =	ssyncset.done $0x0  }
0x58: {  	s25 =	sshra.s32 s25, $0x2;
	[sflag:s20] =	ssyncadd.s32 $0xFFFFC000  }
0x59: {  	[tilespmem:s19], [sflag:$0x1] =	stream.indirect.gather [hbm4b:s1+s22], $0x80, s25, s22, $0xb8;
	[tilespmem:$0x19000] =	vst v63  }
0x5a: {  	p1 =	slt.u32 @!p0 s24, $0x8;
	_ =	swait.ge [sflag:s20], $0x4000  }
0x5b: {  	p1 =	por p0, !p1;
	[sflag:s20] =	ssyncset.done $0x0  }
.Ltmp2:
0x5c: {  	s25 =	sadd.s32 $0x800, s25;
	[sflag:s20] =	ssyncadd.s32 $0xFFFFC000;
	(pc) =	sbr.rel @!p1 .LBB2_4-.Ltmp2, $4  }
0x5d: {  	[spmem:s2] =	stream.indirect.scatter.add.f32 [tilespmem:s19], [sflag:$0x1], $0x80, s25, s22, $0xb8;
	[tilespmem:$0x19000] =	vst v63  }
0x5e: {  	_ =	swait.ge [sflag:s20], $0x4000  }
0x5f: {  	[sflag:s20] =	ssyncset.done $0x0  }
0x60: {  	s24 =	sadd.s32 $0x1, s24;
	[sflag:s20] =	ssyncadd.s32 $0xFFFFC000  }
0x61: {  	s23 =	sshll.u32 s3, $0x6  }
0x62: {  	[bflag:$0x0] =	sbarrier.arrive $0xFFFF;
	s24 =	sshrl.u32 s7, $0x3;
	s23 =	sor.u32 $0x1C01, s23  }
0x63: {  	[hbm:s13], [sflag:s23] =	dma.local [spmem:s24], $0x800  }
0x64: {  	_ =	swait.ge [sflag:s20], $0x800  }
0x65: {  	[sflag:s20] =	ssyncset.done $0x0  }
0x66: {  	s28 =	sshrl.u32 s8, $0x3;
	[sflag:s20] =	ssyncadd.s32 $0xFFFFF800  }
0x67: {  	[hbm:s14], [sflag:s23] =	dma.local [spmem:s28], $0x800  }
0x68: {  	_ =	swait.ge [sflag:s20], $0x800  }
0x69: {  	[sflag:s20] =	ssyncset.done $0x0  }
0x6a: {  	s29 =	sshrl.u32 s9, $0x3;
	[sflag:s20] =	ssyncadd.s32 $0xFFFFF800  }
0x6b: {  	[hbm:s15], [sflag:s23] =	dma.local [spmem:s29], $0x800  }
0x6c: {  	_ =	swait.ge [sflag:s20], $0x800  }
0x6d: {  	[sflag:s20] =	ssyncset.done $0x0  }
0x6e: {  	s30 =	sshrl.u32 s10, $0x3;
	[sflag:s20] =	ssyncadd.s32 $0xFFFFF800  }
0x6f: {  	[hbm:s16], [sflag:s23] =	dma.local [spmem:s30], $0x800  }
0x70: {  	s4 =	sadd.s32 $0x1, s4;
	_ =	swait.ge [sflag:s20], $0x800  }
0x71: {  	p1 =	sne.s32 s4, s18;
	[sflag:s20] =	ssyncset.done $0x0  }
.Ltmp3:
0x72: {  	s31 =	sshrl.u32 s11, $0x3;
	[sflag:s20] =	ssyncadd.s32 $0xFFFFF800;
	(pc) =	sbr.rel @p1 .LBB2_1-.Ltmp3, $4  }
0x73: {  	[hbm:s17], [sflag:s23] =	dma.local [spmem:s31], $0x800  }
0x74: {  	_ =	swait.ge [sflag:s20], $0x800  }
0x75: {  	[sflag:s20] =	ssyncset.done $0x0  }
0x76: {  	[sflag:s20] =	ssyncadd.s32 $0xFFFFF800  }
0x77: {  	_ =	sfence.sel $0x180000  }
0x78: {  	[bflag:$0x0] =	sbarrier.arrive $0xFFFF  }
0x79: {  	p0 =	sne.s32 s3, $0x0;
	_ =	strace $0x90000047  }
0x7a: {  	s0 =	sadd.s32 @!p0 $0x100000, s0;
	[bflag:$0x2] =	sbarrier.arrive $0xFFFF  }
0x7b: {  	[sflag:s0] =	ssyncadd.tile.s32 @!p0 $0x1;
	_ =	shalt  }
.Lfunc_end2:
_tile_overlayer_lowered:
.L_overlay_start_2:
0x7c: {  	(tag) =	ssettag $0x2  }
0x7d: {  	s0 =	rddreg [dreg:$0x0];
	s2 =	stileid.u32  }
0x7e: {  	s1 =	rddreg [dreg:$0x1];
	p0 =	sne.s32 s2, $0x0  }
0x7f: {  	s3 =	rddreg [dreg:$0x2];
	[bflag:$0x3] =	sbarrier.arrive $0xFFFF;
	s2 =	simm.s32 @!p0 $0x1C01  }
0x80: {  	[timem:s3], [sflag:s2] =	dma.local @!p0 [hbm:s0], s1  }
0x81: {  	s0 =	simm.s32 @!p0 $0x1  }
0x82: {  	_ =	swait.ge @!p0 [sflag:s0], s1  }
0x83: {  	s1 =	ssub.s32 @!p0 $0x0, s1;
	[sflag:s0] =	ssyncset.done @!p0 $0x0  }
0x84: {  	[sflag:s0] =	ssyncadd.s32 @!p0 s1  }
0x85: {  	[bflag:$0x3] =	sbarrier.arrive $0xFFFF  }
0x86: {  	_ =	shalt  }

</sc_bundles>
